<compile_context>
chip_gen: v7x
topology: tpu7x:2x2x1
jax: 0.10.2.dev20260603
libtpu: 0.0.44.dev20260713+nightly
codegen_flags: <defaults>
</compile_context>

<pallas_src>
import functools
import jax
import jax.numpy as jnp
from jax import lax
from jax.experimental import pallas as pl
from jax.experimental.pallas import tpu as pltpu
from jax.experimental.pallas import tpu_sc as plsc

_CB = 4
_NBUF = 2


def kernel(x, pe):
    B, L, D = x.shape
    info = plsc.get_sparse_core_info()
    NC, NS, LN = info.num_cores, info.num_subcores, info.num_lanes
    NW = NC * NS
    rows_w = B // NW
    nchunk = rows_w // _CB

    @functools.partial(
        pl.kernel,
        mesh=plsc.VectorSubcoreMesh(core_axis_name="c", subcore_axis_name="s"),
        out_type=jax.ShapeDtypeStruct((B, L, D), jnp.float32),
        scratch_types=[
            pltpu.VMEM((pe.shape[0], D), jnp.float32),
            pltpu.VMEM((_CB, L, D), jnp.float32),
            pltpu.VMEM((_CB, L, D), jnp.float32),
            pltpu.VMEM((_CB, L, D), jnp.float32),
            pltpu.VMEM((_CB, L, D), jnp.float32),
            pltpu.SemaphoreType.DMA,
            pltpu.SemaphoreType.DMA,
            pltpu.SemaphoreType.DMA,
            pltpu.SemaphoreType.DMA,
        ],
    )
    def _k(x_hbm, pe_hbm, out_hbm, pe_v, i0, i1, o0, o1, si0, si1, so0, so1):
        wid = lax.axis_index("s") * NC + lax.axis_index("c")
        base = wid * rows_w
        pltpu.sync_copy(pe_hbm, pe_v)
        ibufs, obufs = (i0, i1), (o0, o1)
        sin, sout = (si0, si1), (so0, so1)

        def in_cp(i, b):
            return pltpu.make_async_copy(
                x_hbm.at[pl.ds(base + i * _CB, _CB)], ibufs[b], sin[b])

        def out_cp(i, b):
            return pltpu.make_async_copy(
                obufs[b], out_hbm.at[pl.ds(base + i * _CB, _CB)], sout[b])

        in_cp(0, 0).start()
        in_cp(1, 1).start()

        def outer(g, _):
            for b in range(_NBUF):
                i = g * _NBUF + b
                in_cp(i, b).wait()

                @pl.when(i >= _NBUF)
                def _():
                    out_cp(i - _NBUF, b).wait()

                ib, ob = ibufs[b], obufs[b]

                def row_body(r, _):
                    for bb in range(_CB):
                        for l in range(D // LN):
                            sl = pl.ds(l * LN, LN)
                            ob[bb, r, sl] = ib[bb, r, sl] + pe_v[r, sl]
                    return 0

                lax.fori_loop(0, L, row_body, 0)
                out_cp(i, b).start()

                @pl.when(i + _NBUF < nchunk)
                def _():
                    in_cp(i + _NBUF, b).start()
            return 0

        lax.fori_loop(0, nchunk // _NBUF, outer, 0)
        out_cp(nchunk - 2, 0).wait()
        out_cp(nchunk - 1, 1).wait()

    return _k(x, pe)

# --- scband reference (transcript-rebuilt; emitter-appended) ---
"""Pipeline reference for scband-positional-encoding-76347338654072 (READ-ONLY COPY).

The authoritative reference and input builder live on the scoring server;
editing this copy changes nothing except your own understanding.
"""

import math
import jax, jax.numpy as jnp
import numpy as np


def _build_pe(dim_size, max_len=55):
    position = jnp.arange(0, max_len, dtype=jnp.float32)[:, None]
    div_term = jnp.exp(jnp.arange(0, dim_size, 2).astype(jnp.float32) * (-math.log(10000.0) / dim_size))
    pe = jnp.zeros((max_len, dim_size), dtype=jnp.float32)
    pe = pe.at[:, 0::2].set(jnp.sin(position * div_term))
    pe = pe.at[:, 1::2].set(jnp.cos(position * div_term))
    return pe


def setup_inputs(seed: int = 0) -> dict:
    key = jax.random.key(seed)
    dim_size = 128
    x = jax.random.normal(jax.random.fold_in(key, 0), (16384, 50, 128), dtype=jnp.float32)
    pe = _build_pe(dim_size, 55)
    return {"x": x, "pe": pe}


def reference(x, pe):
    # pids = arange(seq_len); embedding lookup into frozen sinusoidal table, then add
    pids = jnp.arange(x.shape[1], dtype=jnp.int32)
    pos = jnp.take(pe, pids, axis=0)  # [L, D]
    return x + pos[None, :, :]

if __name__ == "__main__":
    import jax
    _d = setup_inputs()
    print(jax.jit(kernel)(*tuple(_d.values())))

</pallas_src>

<mosaic_0001>
#map = affine_map<(d0, d1) -> (0, 0, 0)>
#map1 = affine_map<(d0, d1) -> (0, 0)>
module attributes {stable_mosaic.version = 14 : i64} {
  func.func @_k(%arg0: i32, %arg1: i32, %arg2: memref<16384x50x128xf32, #tpu.memory_space<hbm>>, %arg3: memref<55x128xf32, #tpu.memory_space<hbm>>, %arg4: memref<16384x50x128xf32, #tpu.memory_space<hbm>>, %arg5: memref<55x128xf32, #tpu.memory_space<vmem>>, %arg6: memref<4x50x128xf32, #tpu.memory_space<vmem>>, %arg7: memref<4x50x128xf32, #tpu.memory_space<vmem>>, %arg8: memref<4x50x128xf32, #tpu.memory_space<vmem>>, %arg9: memref<4x50x128xf32, #tpu.memory_space<vmem>>, %arg10: memref<!tpu.dma_semaphore, #tpu.memory_space<semaphore_mem>>, %arg11: memref<!tpu.dma_semaphore, #tpu.memory_space<semaphore_mem>>, %arg12: memref<!tpu.dma_semaphore, #tpu.memory_space<semaphore_mem>>, %arg13: memref<!tpu.dma_semaphore, #tpu.memory_space<semaphore_mem>>) attributes {dimension_semantics = [#tpu.dimension_semantics<core_parallel>, #tpu.dimension_semantics<subcore_parallel>], iteration_bounds = array<i64: 2, 16>, scalar_prefetch = 0 : i64, scratch_operands = 9 : i64, tpu.core_type = #tpu.core_type<sc_vector_subcore>, window_params = [{transform_indices = #map}, {transform_indices = #map1}, {transform_indices = #map}]} {
    %mul3A = arith.constant 2 : i32
    %mul3A_0 = arith.muli %arg1, %mul3A : i32
    %add3A = arith.addi %mul3A_0, %arg0 : i32
    %mul3A_1 = arith.constant 512 : i32
    %mul3A_2 = arith.muli %add3A, %mul3A_1 : i32
    "tpu.region"() ({
      %run_scoped3A = tpu.sem_alloc : memref<!tpu.dma_semaphore, #tpu.memory_space<semaphore_mem>>
      tpu.enqueue_dma source(%arg3 : memref<55x128xf32, #tpu.memory_space<hbm>>) target(%arg5 : memref<55x128xf32, #tpu.memory_space<vmem>>) target_semaphore(%run_scoped3A : memref<!tpu.dma_semaphore, #tpu.memory_space<semaphore_mem>>)
      tpu.wait_dma2 semaphore(%run_scoped3A : memref<!tpu.dma_semaphore, #tpu.memory_space<semaphore_mem>>) src(%arg3 : memref<55x128xf32, #tpu.memory_space<hbm>>) dst(%arg5 : memref<55x128xf32, #tpu.memory_space<vmem>>)
      tpu.yield
    }) : () -> ()
    %add3A_3 = arith.constant 0 : i32
    %add3A_4 = arith.addi %mul3A_2, %add3A_3 : i32
    %dma_start3A = arith.constant 0 : i32
    %dma_start3A_5 = arith.constant 0 : i32
    %dma_start3A_6 = tpu.memref_slice %arg2[%add3A_4, %dma_start3A, %dma_start3A_5] : memref<16384x50x128xf32, #tpu.memory_space<hbm>> -> memref<4x50x128xf32, #tpu.memory_space<hbm>>
    %dma_start3A_7 = arith.constant 0 : i32
    %dma_start3A_8 = arith.constant 0 : i32
    %dma_start3A_9 = tpu.memref_slice %arg2[%add3A_4, %dma_start3A_7, %dma_start3A_8] : memref<16384x50x128xf32, #tpu.memory_space<hbm>> -> memref<4x50x128xf32, #tpu.memory_space<hbm>>
    tpu.enqueue_dma source(%dma_start3A_9 : memref<4x50x128xf32, #tpu.memory_space<hbm>>) target(%arg6 : memref<4x50x128xf32, #tpu.memory_space<vmem>>) target_semaphore(%arg10 : memref<!tpu.dma_semaphore, #tpu.memory_space<semaphore_mem>>)
    %add3A_10 = arith.constant 4 : i32
    %add3A_11 = arith.addi %mul3A_2, %add3A_10 : i32
    %dma_start3A_12 = arith.constant 0 : i32
    %dma_start3A_13 = arith.constant 0 : i32
    %dma_start3A_14 = tpu.memref_slice %arg2[%add3A_11, %dma_start3A_12, %dma_start3A_13] : memref<16384x50x128xf32, #tpu.memory_space<hbm>> -> memref<4x50x128xf32, #tpu.memory_space<hbm>>
    %dma_start3A_15 = arith.constant 0 : i32
    %dma_start3A_16 = arith.constant 0 : i32
    %dma_start3A_17 = tpu.memref_slice %arg2[%add3A_11, %dma_start3A_15, %dma_start3A_16] : memref<16384x50x128xf32, #tpu.memory_space<hbm>> -> memref<4x50x128xf32, #tpu.memory_space<hbm>>
    tpu.enqueue_dma source(%dma_start3A_17 : memref<4x50x128xf32, #tpu.memory_space<hbm>>) target(%arg7 : memref<4x50x128xf32, #tpu.memory_space<vmem>>) target_semaphore(%arg11 : memref<!tpu.dma_semaphore, #tpu.memory_space<semaphore_mem>>)
    %scan3A = arith.constant 0 : i32
    %scan3A_18 = arith.constant 0 : i32
    %scan3A_19 = arith.constant 64 : i32
    %scan3A_20 = arith.addi %scan3A_18, %scan3A_19 : i32
    %scan3A_21 = arith.constant 1 : i32
    %scan3A_22 = scf.for %scan3A_39 = %scan3A_18 to %scan3A_20 step %scan3A_21 iter_args(%scan3A_40 = %scan3A) -> (i32)  : i32 {
      %mul3A_41 = arith.constant 2 : i32
      %mul3A_42 = arith.muli %scan3A_39, %mul3A_41 : i32
      %add3A_43 = arith.constant 0 : i32
      %add3A_44 = arith.addi %mul3A_42, %add3A_43 : i32
      %mul3A_45 = arith.constant 4 : i32
      %mul3A_46 = arith.muli %add3A_44, %mul3A_45 : i32
      %add3A_47 = arith.addi %mul3A_2, %mul3A_46 : i32
      %dma_wait3A_48 = arith.constant 0 : i32
      %dma_wait3A_49 = arith.constant 0 : i32
      %dma_wait3A_50 = tpu.memref_slice %arg2[%add3A_47, %dma_wait3A_48, %dma_wait3A_49] : memref<16384x50x128xf32, #tpu.memory_space<hbm>> -> memref<4x50x128xf32, #tpu.memory_space<hbm>>
      %dma_wait3A_51 = arith.constant 0 : i32
      %dma_wait3A_52 = arith.constant 0 : i32
      %dma_wait3A_53 = tpu.memref_slice %arg2[%add3A_47, %dma_wait3A_51, %dma_wait3A_52] : memref<16384x50x128xf32, #tpu.memory_space<hbm>> -> memref<4x50x128xf32, #tpu.memory_space<hbm>>
      tpu.wait_dma2 semaphore(%arg10 : memref<!tpu.dma_semaphore, #tpu.memory_space<semaphore_mem>>) src(%dma_wait3A_53 : memref<4x50x128xf32, #tpu.memory_space<hbm>>) dst(%arg6 : memref<4x50x128xf32, #tpu.memory_space<vmem>>)
      %ge3A = arith.constant 2 : i32
      %ge3A_54 = arith.cmpi sge, %add3A_44, %ge3A : i32
      %convert_element_type3A = arith.extui %ge3A_54 : i1 to i32
      %cond3A = arith.constant 0 : i32
      %cond3A_55 = arith.cmpi ne, %convert_element_type3A, %cond3A : i32
      scf.if %cond3A_55 {
        %sub3A = arith.constant 2 : i32
        %sub3A_120 = arith.subi %add3A_44, %sub3A : i32
        %mul3A_121 = arith.constant 4 : i32
        %mul3A_122 = arith.muli %sub3A_120, %mul3A_121 : i32
        %add3A_123 = arith.addi %mul3A_2, %mul3A_122 : i32
        %dma_wait3A_124 = arith.constant 0 : i32
        %dma_wait3A_125 = arith.constant 0 : i32
        %dma_wait3A_126 = tpu.memref_slice %arg4[%add3A_123, %dma_wait3A_124, %dma_wait3A_125] : memref<16384x50x128xf32, #tpu.memory_space<hbm>> -> memref<4x50x128xf32, #tpu.memory_space<hbm>>
        %dma_wait3A_127 = arith.constant 0 : i32
        %dma_wait3A_128 = arith.constant 0 : i32
        %dma_wait3A_129 = tpu.memref_slice %arg4[%add3A_123, %dma_wait3A_127, %dma_wait3A_128] : memref<16384x50x128xf32, #tpu.memory_space<hbm>> -> memref<4x50x128xf32, #tpu.memory_space<hbm>>
        tpu.wait_dma2 semaphore(%arg12 : memref<!tpu.dma_semaphore, #tpu.memory_space<semaphore_mem>>) src(%arg8 : memref<4x50x128xf32, #tpu.memory_space<vmem>>) dst(%dma_wait3A_129 : memref<4x50x128xf32, #tpu.memory_space<hbm>>)
      } else {
      }
      %scan3A_56 = arith.constant 0 : i32
      %scan3A_57 = arith.constant 0 : i32
      %scan3A_58 = arith.constant 50 : i32
      %scan3A_59 = arith.addi %scan3A_57, %scan3A_58 : i32
      %scan3A_60 = arith.constant 1 : i32
      %scan3A_61 = scf.for %scan3A_120 = %scan3A_57 to %scan3A_59 step %scan3A_60 iter_args(%scan3A_121 = %scan3A_56) -> (i32)  : i32 {
        %get3A = arith.constant 0 : i32
        %get3A_122 = arith.index_cast %get3A : i32 to index
        %get3A_123 = arith.index_cast %scan3A_120 : i32 to index
        %get3A_124 = arith.constant 0 : index
        %get3A_125 = tpu.vector_load %arg6[%get3A_122, %get3A_123, %get3A_124] {strides = array<i32>} : memref<4x50x128xf32, #tpu.memory_space<vmem>>, vector<1x1x16xf32>,
        %get3A_126 = vector.shape_cast %get3A_125 : vector<1x1x16xf32> to vector<16xf32>
        %get3A_127 = arith.index_cast %scan3A_120 : i32 to index
        %get3A_128 = arith.constant 0 : index
        %get3A_129 = tpu.vector_load %arg5[%get3A_127, %get3A_128] {strides = array<i32>} : memref<55x128xf32, #tpu.memory_space<vmem>>, vector<1x16xf32>,
        %get3A_130 = vector.shape_cast %get3A_129 : vector<1x16xf32> to vector<16xf32>
        %add3A_131 = arith.addf %get3A_126, %get3A_130 : vector<16xf32>
        %swap3A = arith.constant 0 : i32
        %swap3A_132 = arith.index_cast %swap3A : i32 to index
        %swap3A_133 = arith.index_cast %scan3A_120 : i32 to index
        %swap3A_134 = arith.constant 0 : index
        %swap3A_135 = tpu.vector_load %arg8[%swap3A_132, %swap3A_133, %swap3A_134] {strides = array<i32>} : memref<4x50x128xf32, #tpu.memory_space<vmem>>, vector<1x1x16xf32>,
        %swap3A_136 = vector.shape_cast %swap3A_135 : vector<1x1x16xf32> to vector<16xf32>
        %swap3A_137 = vector.shape_cast %add3A_131 : vector<16xf32> to vector<1x1x16xf32>
        tpu.vector_store %arg8[%swap3A_132, %swap3A_133, %swap3A_134], %swap3A_137 {strides = array<i32>} : memref<4x50x128xf32, #tpu.memory_space<vmem>>, vector<1x1x16xf32>,
        %get3A_138 = arith.constant 0 : i32
        %get3A_139 = arith.index_cast %get3A_138 : i32 to index
        %get3A_140 = arith.index_cast %scan3A_120 : i32 to index
        %get3A_141 = arith.constant 16 : index
        %get3A_142 = tpu.vector_load %arg6[%get3A_139, %get3A_140, %get3A_141] {strides = array<i32>} : memref<4x50x128xf32, #tpu.memory_space<vmem>>, vector<1x1x16xf32>,
        %get3A_143 = vector.shape_cast %get3A_142 : vector<1x1x16xf32> to vector<16xf32>
        %get3A_144 = arith.index_cast %scan3A_120 : i32 to index
        %get3A_145 = arith.constant 16 : index
        %get3A_146 = tpu.vector_load %arg5[%get3A_144, %get3A_145] {strides = array<i32>} : memref<55x128xf32, #tpu.memory_space<vmem>>, vector<1x16xf32>,
        %get3A_147 = vector.shape_cast %get3A_146 : vector<1x16xf32> to vector<16xf32>
        %add3A_148 = arith.addf %get3A_143, %get3A_147 : vector<16xf32>
        %swap3A_149 = arith.constant 0 : i32
        %swap3A_150 = arith.index_cast %swap3A_149 : i32 to index
        %swap3A_151 = arith.index_cast %scan3A_120 : i32 to index
        %swap3A_152 = arith.constant 16 : index
        %swap3A_153 = tpu.vector_load %arg8[%swap3A_150, %swap3A_151, %swap3A_152] {strides = array<i32>} : memref<4x50x128xf32, #tpu.memory_space<vmem>>, vector<1x1x16xf32>,
        %swap3A_154 = vector.shape_cast %swap3A_153 : vector<1x1x16xf32> to vector<16xf32>
        %swap3A_155 = vector.shape_cast %add3A_148 : vector<16xf32> to vector<1x1x16xf32>
        tpu.vector_store %arg8[%swap3A_150, %swap3A_151, %swap3A_152], %swap3A_155 {strides = array<i32>} : memref<4x50x128xf32, #tpu.memory_space<vmem>>, vector<1x1x16xf32>,
        %get3A_156 = arith.constant 0 : i32
        %get3A_157 = arith.index_cast %get3A_156 : i32 to index
        %get3A_158 = arith.index_cast %scan3A_120 : i32 to index
        %get3A_159 = arith.constant 32 : index
        %get3A_160 = tpu.vector_load %arg6[%get3A_157, %get3A_158, %get3A_159] {strides = array<i32>} : memref<4x50x128xf32, #tpu.memory_space<vmem>>, vector<1x1x16xf32>,
        %get3A_161 = vector.shape_cast %get3A_160 : vector<1x1x16xf32> to vector<16xf32>
        %get3A_162 = arith.index_cast %scan3A_120 : i32 to index
        %get3A_163 = arith.constant 32 : index
        %get3A_164 = tpu.vector_load %arg5[%get3A_162, %get3A_163] {strides = array<i32>} : memref<55x128xf32, #tpu.memory_space<vmem>>, vector<1x16xf32>,
        %get3A_165 = vector.shape_cast %get3A_164 : vector<1x16xf32> to vector<16xf32>
        %add3A_166 = arith.addf %get3A_161, %get3A_165 : vector<16xf32>
        %swap3A_167 = arith.constant 0 : i32
        %swap3A_168 = arith.index_cast %swap3A_167 : i32 to index
        %swap3A_169 = arith.index_cast %scan3A_120 : i32 to index
        %swap3A_170 = arith.constant 32 : index
        %swap3A_171 = tpu.vector_load %arg8[%swap3A_168, %swap3A_169, %swap3A_170] {strides = array<i32>} : memref<4x50x128xf32, #tpu.memory_space<vmem>>, vector<1x1x16xf32>,
        %swap3A_172 = vector.shape_cast %swap3A_171 : vector<1x1x16xf32> to vector<16xf32>
        %swap3A_173 = vector.shape_cast %add3A_166 : vector<16xf32> to vector<1x1x16xf32>
        tpu.vector_store %arg8[%swap3A_168, %swap3A_169, %swap3A_170], %swap3A_173 {strides = array<i32>} : memref<4x50x128xf32, #tpu.memory_space<vmem>>, vector<1x1x16xf32>,
        %get3A_174 = arith.constant 0 : i32
        %get3A_175 = arith.index_cast %get3A_174 : i32 to index
        %get3A_176 = arith.index_cast %scan3A_120 : i32 to index
        %get3A_177 = arith.constant 48 : index
        %get3A_178 = tpu.vector_load %arg6[%get3A_175, %get3A_176, %get3A_177] {strides = array<i32>} : memref<4x50x128xf32, #tpu.memory_space<vmem>>, vector<1x1x16xf32>,
        %get3A_179 = vector.shape_cast %get3A_178 : vector<1x1x16xf32> to vector<16xf32>
        %get3A_180 = arith.index_cast %scan3A_120 : i32 to index
        %get3A_181 = arith.constant 48 : index
        %get3A_182 = tpu.vector_load %arg5[%get3A_180, %get3A_181] {strides = array<i32>} : memref<55x128xf32, #tpu.memory_space<vmem>>, vector<1x16xf32>,
        %get3A_183 = vector.shape_cast %get3A_182 : vector<1x16xf32> to vector<16xf32>
        %add3A_184 = arith.addf %get3A_179, %get3A_183 : vector<16xf32>
        %swap3A_185 = arith.constant 0 : i32
        %swap3A_186 = arith.index_cast %swap3A_185 : i32 to index
        %swap3A_187 = arith.index_cast %scan3A_120 : i32 to index
        %swap3A_188 = arith.constant 48 : index
        %swap3A_189 = tpu.vector_load %arg8[%swap3A_186, %swap3A_187, %swap3A_188] {strides = array<i32>} : memref<4x50x128xf32, #tpu.memory_space<vmem>>, vector<1x1x16xf32>,
        %swap3A_190 = vector.shape_cast %swap3A_189 : vector<1x1x16xf32> to vector<16xf32>
        %swap3A_191 = vector.shape_cast %add3A_184 : vector<16xf32> to vector<1x1x16xf32>
        tpu.vector_store %arg8[%swap3A_186, %swap3A_187, %swap3A_188], %swap3A_191 {strides = array<i32>} : memref<4x50x128xf32, #tpu.memory_space<vmem>>, vector<1x1x16xf32>,
        %get3A_192 = arith.constant 0 : i32
        %get3A_193 = arith.index_cast %get3A_192 : i32 to index
        %get3A_194 = arith.index_cast %scan3A_120 : i32 to index
        %get3A_195 = arith.constant 64 : index
        %get3A_196 = tpu.vector_load %arg6[%get3A_193, %get3A_194, %get3A_195] {strides = array<i32>} : memref<4x50x128xf32, #tpu.memory_space<vmem>>, vector<1x1x16xf32>,
        %get3A_197 = vector.shape_cast %get3A_196 : vector<1x1x16xf32> to vector<16xf32>
        %get3A_198 = arith.index_cast %scan3A_120 : i32 to index
        %get3A_199 = arith.constant 64 : index
        %get3A_200 = tpu.vector_load %arg5[%get3A_198, %get3A_199] {strides = array<i32>} : memref<55x128xf32, #tpu.memory_space<vmem>>, vector<1x16xf32>,
        %get3A_201 = vector.shape_cast %get3A_200 : vector<1x16xf32> to vector<16xf32>
        %add3A_202 = arith.addf %get3A_197, %get3A_201 : vector<16xf32>
        %swap3A_203 = arith.constant 0 : i32
        %swap3A_204 = arith.index_cast %swap3A_203 : i32 to index
        %swap3A_205 = arith.index_cast %scan3A_120 : i32 to index
        %swap3A_206 = arith.constant 64 : index
        %swap3A_207 = tpu.vector_load %arg8[%swap3A_204, %swap3A_205, %swap3A_206] {strides = array<i32>} : memref<4x50x128xf32, #tpu.memory_space<vmem>>, vector<1x1x16xf32>,
        %swap3A_208 = vector.shape_cast %swap3A_207 : vector<1x1x16xf32> to vector<16xf32>
        %swap3A_209 = vector.shape_cast %add3A_202 : vector<16xf32> to vector<1x1x16xf32>
        tpu.vector_store %arg8[%swap3A_204, %swap3A_205, %swap3A_206], %swap3A_209 {strides = array<i32>} : memref<4x50x128xf32, #tpu.memory_space<vmem>>, vector<1x1x16xf32>,
        %get3A_210 = arith.constant 0 : i32
        %get3A_211 = arith.index_cast %get3A_210 : i32 to index
        %get3A_212 = arith.index_cast %scan3A_120 : i32 to index
        %get3A_213 = arith.constant 80 : index
        %get3A_214 = tpu.vector_load %arg6[%get3A_211, %get3A_212, %get3A_213] {strides = array<i32>} : memref<4x50x128xf32, #tpu.memory_space<vmem>>, vector<1x1x16xf32>,
        %get3A_215 = vector.shape_cast %get3A_214 : vector<1x1x16xf32> to vector<16xf32>
        %get3A_216 = arith.index_cast %scan3A_120 : i32 to index
        %get3A_217 = arith.constant 80 : index
        %get3A_218 = tpu.vector_load %arg5[%get3A_216, %get3A_217] {strides = array<i32>} : memref<55x128xf32, #tpu.memory_space<vmem>>, vector<1x16xf32>,
        %get3A_219 = vector.shape_cast %get3A_218 : vector<1x16xf32> to vector<16xf32>
        %add3A_220 = arith.addf %get3A_215, %get3A_219 : vector<16xf32>
        %swap3A_221 = arith.constant 0 : i32
        %swap3A_222 = arith.index_cast %swap3A_221 : i32 to index
        %swap3A_223 = arith.index_cast %scan3A_120 : i32 to index
        %swap3A_224 = arith.constant 80 : index
        %swap3A_225 = tpu.vector_load %arg8[%swap3A_222, %swap3A_223, %swap3A_224] {strides = array<i32>} : memref<4x50x128xf32, #tpu.memory_space<vmem>>, vector<1x1x16xf32>,
        %swap3A_226 = vector.shape_cast %swap3A_225 : vector<1x1x16xf32> to vector<16xf32>
        %swap3A_227 = vector.shape_cast %add3A_220 : vector<16xf32> to vector<1x1x16xf32>
        tpu.vector_store %arg8[%swap3A_222, %swap3A_223, %swap3A_224], %swap3A_227 {strides = array<i32>} : memref<4x50x128xf32, #tpu.memory_space<vmem>>, vector<1x1x16xf32>,
        %get3A_228 = arith.constant 0 : i32
        %get3A_229 = arith.index_cast %get3A_228 : i32 to index
        %get3A_230 = arith.index_cast %scan3A_120 : i32 to index
        %get3A_231 = arith.constant 96 : index
        %get3A_232 = tpu.vector_load %arg6[%get3A_229, %get3A_230, %get3A_231] {strides = array<i32>} : memref<4x50x128xf32, #tpu.memory_space<vmem>>, vector<1x1x16xf32>,
        %get3A_233 = vector.shape_cast %get3A_232 : vector<1x1x16xf32> to vector<16xf32>
        %get3A_234 = arith.index_cast %scan3A_120 : i32 to index
        %get3A_235 = arith.constant 96 : index
        %get3A_236 = tpu.vector_load %arg5[%get3A_234, %get3A_235] {strides = array<i32>} : memref<55x128xf32, #tpu.memory_space<vmem>>, vector<1x16xf32>,
        %get3A_237 = vector.shape_cast %get3A_236 : vector<1x16xf32> to vector<16xf32>
        %add3A_238 = arith.addf %get3A_233, %get3A_237 : vector<16xf32>
        %swap3A_239 = arith.constant 0 : i32
        %swap3A_240 = arith.index_cast %swap3A_239 : i32 to index
        %swap3A_241 = arith.index_cast %scan3A_120 : i32 to index
        %swap3A_242 = arith.constant 96 : index
        %swap3A_243 = tpu.vector_load %arg8[%swap3A_240, %swap3A_241, %swap3A_242] {strides = array<i32>} : memref<4x50x128xf32, #tpu.memory_space<vmem>>, vector<1x1x16xf32>,
        %swap3A_244 = vector.shape_cast %swap3A_243 : vector<1x1x16xf32> to vector<16xf32>
        %swap3A_245 = vector.shape_cast %add3A_238 : vector<16xf32> to vector<1x1x16xf32>
        tpu.vector_store %arg8[%swap3A_240, %swap3A_241, %swap3A_242], %swap3A_245 {strides = array<i32>} : memref<4x50x128xf32, #tpu.memory_space<vmem>>, vector<1x1x16xf32>,
        %get3A_246 = arith.constant 0 : i32
        %get3A_247 = arith.index_cast %get3A_246 : i32 to index
        %get3A_248 = arith.index_cast %scan3A_120 : i32 to index
        %get3A_249 = arith.constant 112 : index
        %get3A_250 = tpu.vector_load %arg6[%get3A_247, %get3A_248, %get3A_249] {strides = array<i32>} : memref<4x50x128xf32, #tpu.memory_space<vmem>>, vector<1x1x16xf32>,
        %get3A_251 = vector.shape_cast %get3A_250 : vector<1x1x16xf32> to vector<16xf32>
        %get3A_252 = arith.index_cast %scan3A_120 : i32 to index
        %get3A_253 = arith.constant 112 : index
        %get3A_254 = tpu.vector_load %arg5[%get3A_252, %get3A_253] {strides = array<i32>} : memref<55x128xf32, #tpu.memory_space<vmem>>, vector<1x16xf32>,
        %get3A_255 = vector.shape_cast %get3A_254 : vector<1x16xf32> to vector<16xf32>
        %add3A_256 = arith.addf %get3A_251, %get3A_255 : vector<16xf32>
        %swap3A_257 = arith.constant 0 : i32
        %swap3A_258 = arith.index_cast %swap3A_257 : i32 to index
        %swap3A_259 = arith.index_cast %scan3A_120 : i32 to index
        %swap3A_260 = arith.constant 112 : index
        %swap3A_261 = tpu.vector_load %arg8[%swap3A_258, %swap3A_259, %swap3A_260] {strides = array<i32>} : memref<4x50x128xf32, #tpu.memory_space<vmem>>, vector<1x1x16xf32>,
        %swap3A_262 = vector.shape_cast %swap3A_261 : vector<1x1x16xf32> to vector<16xf32>
        %swap3A_263 = vector.shape_cast %add3A_256 : vector<16xf32> to vector<1x1x16xf32>
        tpu.vector_store %arg8[%swap3A_258, %swap3A_259, %swap3A_260], %swap3A_263 {strides = array<i32>} : memref<4x50x128xf32, #tpu.memory_space<vmem>>, vector<1x1x16xf32>,
        %get3A_264 = arith.constant 1 : i32
        %get3A_265 = arith.index_cast %get3A_264 : i32 to index
        %get3A_266 = arith.index_cast %scan3A_120 : i32 to index
        %get3A_267 = arith.constant 0 : index
        %get3A_268 = tpu.vector_load %arg6[%get3A_265, %get3A_266, %get3A_267] {strides = array<i32>} : memref<4x50x128xf32, #tpu.memory_space<vmem>>, vector<1x1x16xf32>,
        %get3A_269 = vector.shape_cast %get3A_268 : vector<1x1x16xf32> to vector<16xf32>
        %get3A_270 = arith.index_cast %scan3A_120 : i32 to index
        %get3A_271 = arith.constant 0 : index
        %get3A_272 = tpu.vector_load %arg5[%get3A_270, %get3A_271] {strides = array<i32>} : memref<55x128xf32, #tpu.memory_space<vmem>>, vector<1x16xf32>,
        %get3A_273 = vector.shape_cast %get3A_272 : vector<1x16xf32> to vector<16xf32>
        %add3A_274 = arith.addf %get3A_269, %get3A_273 : vector<16xf32>
        %swap3A_275 = arith.constant 1 : i32
        %swap3A_276 = arith.index_cast %swap3A_275 : i32 to index
        %swap3A_277 = arith.index_cast %scan3A_120 : i32 to index
        %swap3A_278 = arith.constant 0 : index
        %swap3A_279 = tpu.vector_load %arg8[%swap3A_276, %swap3A_277, %swap3A_278] {strides = array<i32>} : memref<4x50x128xf32, #tpu.memory_space<vmem>>, vector<1x1x16xf32>,
        %swap3A_280 = vector.shape_cast %swap3A_279 : vector<1x1x16xf32> to vector<16xf32>
        %swap3A_281 = vector.shape_cast %add3A_274 : vector<16xf32> to vector<1x1x16xf32>
        tpu.vector_store %arg8[%swap3A_276, %swap3A_277, %swap3A_278], %swap3A_281 {strides = array<i32>} : memref<4x50x128xf32, #tpu.memory_space<vmem>>, vector<1x1x16xf32>,
        %get3A_282 = arith.constant 1 : i32
        %get3A_283 = arith.index_cast %get3A_282 : i32 to index
        %get3A_284 = arith.index_cast %scan3A_120 : i32 to index
        %get3A_285 = arith.constant 16 : index
        %get3A_286 = tpu.vector_load %arg6[%get3A_283, %get3A_284, %get3A_285] {strides = array<i32>} : memref<4x50x128xf32, #tpu.memory_space<vmem>>, vector<1x1x16xf32>,
        %get3A_287 = vector.shape_cast %get3A_286 : vector<1x1x16xf32> to vector<16xf32>
        %get3A_288 = arith.index_cast %scan3A_120 : i32 to index
        %get3A_289 = arith.constant 16 : index
        %get3A_290 = tpu.vector_load %arg5[%get3A_288, %get3A_289] {strides = array<i32>} : memref<55x128xf32, #tpu.memory_space<vmem>>, vector<1x16xf32>,
        %get3A_291 = vector.shape_cast %get3A_290 : vector<1x16xf32> to vector<16xf32>
        %add3A_292 = arith.addf %get3A_287, %get3A_291 : vector<16xf32>
        %swap3A_293 = arith.constant 1 : i32
        %swap3A_294 = arith.index_cast %swap3A_293 : i32 to index
        %swap3A_295 = arith.index_cast %scan3A_120 : i32 to index
        %swap3A_296 = arith.constant 16 : index
        %swap3A_297 = tpu.vector_load %arg8[%swap3A_294, %swap3A_295, %swap3A_296] {strides = array<i32>} : memref<4x50x128xf32, #tpu.memory_space<vmem>>, vector<1x1x16xf32>,
        %swap3A_298 = vector.shape_cast %swap3A_297 : vector<1x1x16xf32> to vector<16xf32>
        %swap3A_299 = vector.shape_cast %add3A_292 : vector<16xf32> to vector<1x1x16xf32>
        tpu.vector_store %arg8[%swap3A_294, %swap3A_295, %swap3A_296], %swap3A_299 {strides = array<i32>} : memref<4x50x128xf32, #tpu.memory_space<vmem>>, vector<1x1x16xf32>,
        %get3A_300 = arith.constant 1 : i32
        %get3A_301 = arith.index_cast %get3A_300 : i32 to index
        %get3A_302 = arith.index_cast %scan3A_120 : i32 to index
        %get3A_303 = arith.constant 32 : index
        %get3A_304 = tpu.vector_load %arg6[%get3A_301, %get3A_302, %get3A_303] {strides = array<i32>} : memref<4x50x128xf32, #tpu.memory_space<vmem>>, vector<1x1x16xf32>,
        %get3A_305 = vector.shape_cast %get3A_304 : vector<1x1x16xf32> to vector<16xf32>
        %get3A_306 = arith.index_cast %scan3A_120 : i32 to index
        %get3A_307 = arith.constant 32 : index
        %get3A_308 = tpu.vector_load %arg5[%get3A_306, %get3A_307] {strides = array<i32>} : memref<55x128xf32, #tpu.memory_space<vmem>>, vector<1x16xf32>,
        %get3A_309 = vector.shape_cast %get3A_308 : vector<1x16xf32> to vector<16xf32>
        %add3A_310 = arith.addf %get3A_305, %get3A_309 : vector<16xf32>
        %swap3A_311 = arith.constant 1 : i32
        %swap3A_312 = arith.index_cast %swap3A_311 : i32 to index
        %swap3A_313 = arith.index_cast %scan3A_120 : i32 to index
        %swap3A_314 = arith.constant 32 : index
        %swap3A_315 = tpu.vector_load %arg8[%swap3A_312, %swap3A_313, %swap3A_314] {strides = array<i32>} : memref<4x50x128xf32, #tpu.memory_space<vmem>>, vector<1x1x16xf32>,
        %swap3A_316 = vector.shape_cast %swap3A_315 : vector<1x1x16xf32> to vector<16xf32>
        %swap3A_317 = vector.shape_cast %add3A_310 : vector<16xf32> to vector<1x1x16xf32>
        tpu.vector_store %arg8[%swap3A_312, %swap3A_313, %swap3A_314], %swap3A_317 {strides = array<i32>} : memref<4x50x128xf32, #tpu.memory_space<vmem>>, vector<1x1x16xf32>,
        %get3A_318 = arith.constant 1 : i32
        %get3A_319 = arith.index_cast %get3A_318 : i32 to index
        %get3A_320 = arith.index_cast %scan3A_120 : i32 to index
        %get3A_321 = arith.constant 48 : index
        %get3A_322 = tpu.vector_load %arg6[%get3A_319, %get3A_320, %get3A_321] {strides = array<i32>} : memref<4x50x128xf32, #tpu.memory_space<vmem>>, vector<1x1x16xf32>,
        %get3A_323 = vector.shape_cast %get3A_322 : vector<1x1x16xf32> to vector<16xf32>
        %get3A_324 = arith.index_cast %scan3A_120 : i32 to index
        %get3A_325 = arith.constant 48 : index
        %get3A_326 = tpu.vector_load %arg5[%get3A_324, %get3A_325] {strides = array<i32>} : memref<55x128xf32, #tpu.memory_space<vmem>>, vector<1x16xf32>,
        %get3A_327 = vector.shape_cast %get3A_326 : vector<1x16xf32> to vector<16xf32>
        %add3A_328 = arith.addf %get3A_323, %get3A_327 : vector<16xf32>
        %swap3A_329 = arith.constant 1 : i32
        %swap3A_330 = arith.index_cast %swap3A_329 : i32 to index
        %swap3A_331 = arith.index_cast %scan3A_120 : i32 to index
        %swap3A_332 = arith.constant 48 : index
        %swap3A_333 = tpu.vector_load %arg8[%swap3A_330, %swap3A_331, %swap3A_332] {strides = array<i32>} : memref<4x50x128xf32, #tpu.memory_space<vmem>>, vector<1x1x16xf32>,
        %swap3A_334 = vector.shape_cast %swap3A_333 : vector<1x1x16xf32> to vector<16xf32>
        %swap3A_335 = vector.shape_cast %add3A_328 : vector<16xf32> to vector<1x1x16xf32>
        tpu.vector_store %arg8[%swap3A_330, %swap3A_331, %swap3A_332], %swap3A_335 {strides = array<i32>} : memref<4x50x128xf32, #tpu.memory_space<vmem>>, vector<1x1x16xf32>,
        %get3A_336 = arith.constant 1 : i32
        %get3A_337 = arith.index_cast %get3A_336 : i32 to index
        %get3A_338 = arith.index_cast %scan3A_120 : i32 to index
        %get3A_339 = arith.constant 64 : index
        %get3A_340 = tpu.vector_load %arg6[%get3A_337, %get3A_338, %get3A_339] {strides = array<i32>} : memref<4x50x128xf32, #tpu.memory_space<vmem>>, vector<1x1x16xf32>,
        %get3A_341 = vector.shape_cast %get3A_340 : vector<1x1x16xf32> to vector<16xf32>
        %get3A_342 = arith.index_cast %scan3A_120 : i32 to index
        %get3A_343 = arith.constant 64 : index
        %get3A_344 = tpu.vector_load %arg5[%get3A_342, %get3A_343] {strides = array<i32>} : memref<55x128xf32, #tpu.memory_space<vmem>>, vector<1x16xf32>,
        %get3A_345 = vector.shape_cast %get3A_344 : vector<1x16xf32> to vector<16xf32>
        %add3A_346 = arith.addf %get3A_341, %get3A_345 : vector<16xf32>
        %swap3A_347 = arith.constant 1 : i32
        %swap3A_348 = arith.index_cast %swap3A_347 : i32 to index
        %swap3A_349 = arith.index_cast %scan3A_120 : i32 to index
        %swap3A_350 = arith.constant 64 : index
        %swap3A_351 = tpu.vector_load %arg8[%swap3A_348, %swap3A_349, %swap3A_350] {strides = array<i32>} : memref<4x50x128xf32, #tpu.memory_space<vmem>>, vector<1x1x16xf32>,
        %swap3A_352 = vector.shape_cast %swap3A_351 : vector<1x1x16xf32> to vector<16xf32>
        %swap3A_353 = vector.shape_cast %add3A_346 : vector<16xf32> to vector<1x1x16xf32>
        tpu.vector_store %arg8[%swap3A_348, %swap3A_349, %swap3A_350], %swap3A_353 {strides = array<i32>} : memref<4x50x128xf32, #tpu.memory_space<vmem>>, vector<1x1x16xf32>,
        %get3A_354 = arith.constant 1 : i32
        %get3A_355 = arith.index_cast %get3A_354 : i32 to index
        %get3A_356 = arith.index_cast %scan3A_120 : i32 to index
        %get3A_357 = arith.constant 80 : index
        %get3A_358 = tpu.vector_load %arg6[%get3A_355, %get3A_356, %get3A_357] {strides = array<i32>} : memref<4x50x128xf32, #tpu.memory_space<vmem>>, vector<1x1x16xf32>,
        %get3A_359 = vector.shape_cast %get3A_358 : vector<1x1x16xf32> to vector<16xf32>
        %get3A_360 = arith.index_cast %scan3A_120 : i32 to index
        %get3A_361 = arith.constant 80 : index
        %get3A_362 = tpu.vector_load %arg5[%get3A_360, %get3A_361] {strides = array<i32>} : memref<55x128xf32, #tpu.memory_space<vmem>>, vector<1x16xf32>,
        %get3A_363 = vector.shape_cast %get3A_362 : vector<1x16xf32> to vector<16xf32>
        %add3A_364 = arith.addf %get3A_359, %get3A_363 : vector<16xf32>
        %swap3A_365 = arith.constant 1 : i32
        %swap3A_366 = arith.index_cast %swap3A_365 : i32 to index
        %swap3A_367 = arith.index_cast %scan3A_120 : i32 to index
        %swap3A_368 = arith.constant 80 : index
        %swap3A_369 = tpu.vector_load %arg8[%swap3A_366, %swap3A_367, %swap3A_368] {strides = array<i32>} : memref<4x50x128xf32, #tpu.memory_space<vmem>>, vector<1x1x16xf32>,
        %swap3A_370 = vector.shape_cast %swap3A_369 : vector<1x1x16xf32> to vector<16xf32>
        %swap3A_371 = vector.shape_cast %add3A_364 : vector<16xf32> to vector<1x1x16xf32>
        tpu.vector_store %arg8[%swap3A_366, %swap3A_367, %swap3A_368], %swap3A_371 {strides = array<i32>} : memref<4x50x128xf32, #tpu.memory_space<vmem>>, vector<1x1x16xf32>,
        %get3A_372 = arith.constant 1 : i32
        %get3A_373 = arith.index_cast %get3A_372 : i32 to index
        %get3A_374 = arith.index_cast %scan3A_120 : i32 to index
        %get3A_375 = arith.constant 96 : index
        %get3A_376 = tpu.vector_load %arg6[%get3A_373, %get3A_374, %get3A_375] {strides = array<i32>} : memref<4x50x128xf32, #tpu.memory_space<vmem>>, vector<1x1x16xf32>,
        %get3A_377 = vector.shape_cast %get3A_376 : vector<1x1x16xf32> to vector<16xf32>
        %get3A_378 = arith.index_cast %scan3A_120 : i32 to index
        %get3A_379 = arith.constant 96 : index
        %get3A_380 = tpu.vector_load %arg5[%get3A_378, %get3A_379] {strides = array<i32>} : memref<55x128xf32, #tpu.memory_space<vmem>>, vector<1x16xf32>,
        %get3A_381 = vector.shape_cast %get3A_380 : vector<1x16xf32> to vector<16xf32>
        %add3A_382 = arith.addf %get3A_377, %get3A_381 : vector<16xf32>
        %swap3A_383 = arith.constant 1 : i32
        %swap3A_384 = arith.index_cast %swap3A_383 : i32 to index
        %swap3A_385 = arith.index_cast %scan3A_120 : i32 to index
        %swap3A_386 = arith.constant 96 : index
        %swap3A_387 = tpu.vector_load %arg8[%swap3A_384, %swap3A_385, %swap3A_386] {strides = array<i32>} : memref<4x50x128xf32, #tpu.memory_space<vmem>>, vector<1x1x16xf32>,
        %swap3A_388 = vector.shape_cast %swap3A_387 : vector<1x1x16xf32> to vector<16xf32>
        %swap3A_389 = vector.shape_cast %add3A_382 : vector<16xf32> to vector<1x1x16xf32>
        tpu.vector_store %arg8[%swap3A_384, %swap3A_385, %swap3A_386], %swap3A_389 {strides = array<i32>} : memref<4x50x128xf32, #tpu.memory_space<vmem>>, vector<1x1x16xf32>,
        %get3A_390 = arith.constant 1 : i32
        %get3A_391 = arith.index_cast %get3A_390 : i32 to index
        %get3A_392 = arith.index_cast %scan3A_120 : i32 to index
        %get3A_393 = arith.constant 112 : index
        %get3A_394 = tpu.vector_load %arg6[%get3A_391, %get3A_392, %get3A_393] {strides = array<i32>} : memref<4x50x128xf32, #tpu.memory_space<vmem>>, vector<1x1x16xf32>,
        %get3A_395 = vector.shape_cast %get3A_394 : vector<1x1x16xf32> to vector<16xf32>
        %get3A_396 = arith.index_cast %scan3A_120 : i32 to index
        %get3A_397 = arith.constant 112 : index
        %get3A_398 = tpu.vector_load %arg5[%get3A_396, %get3A_397] {strides = array<i32>} : memref<55x128xf32, #tpu.memory_space<vmem>>, vector<1x16xf32>,
        %get3A_399 = vector.shape_cast %get3A_398 : vector<1x16xf32> to vector<16xf32>
        %add3A_400 = arith.addf %get3A_395, %get3A_399 : vector<16xf32>
        %swap3A_401 = arith.constant 1 : i32
        %swap3A_402 = arith.index_cast %swap3A_401 : i32 to index
        %swap3A_403 = arith.index_cast %scan3A_120 : i32 to index
        %swap3A_404 = arith.constant 112 : index
        %swap3A_405 = tpu.vector_load %arg8[%swap3A_402, %swap3A_403, %swap3A_404] {strides = array<i32>} : memref<4x50x128xf32, #tpu.memory_space<vmem>>, vector<1x1x16xf32>,
        %swap3A_406 = vector.shape_cast %swap3A_405 : vector<1x1x16xf32> to vector<16xf32>
        %swap3A_407 = vector.shape_cast %add3A_400 : vector<16xf32> to vector<1x1x16xf32>
        tpu.vector_store %arg8[%swap3A_402, %swap3A_403, %swap3A_404], %swap3A_407 {strides = array<i32>} : memref<4x50x128xf32, #tpu.memory_space<vmem>>, vector<1x1x16xf32>,
        %get3A_408 = arith.constant 2 : i32
        %get3A_409 = arith.index_cast %get3A_408 : i32 to index
        %get3A_410 = arith.index_cast %scan3A_120 : i32 to index
        %get3A_411 = arith.constant 0 : index
        %get3A_412 = tpu.vector_load %arg6[%get3A_409, %get3A_410, %get3A_411] {strides = array<i32>} : memref<4x50x128xf32, #tpu.memory_space<vmem>>, vector<1x1x16xf32>,
        %get3A_413 = vector.shape_cast %get3A_412 : vector<1x1x16xf32> to vector<16xf32>
        %get3A_414 = arith.index_cast %scan3A_120 : i32 to index
        %get3A_415 = arith.constant 0 : index
        %get3A_416 = tpu.vector_load %arg5[%get3A_414, %get3A_415] {strides = array<i32>} : memref<55x128xf32, #tpu.memory_space<vmem>>, vector<1x16xf32>,
        %get3A_417 = vector.shape_cast %get3A_416 : vector<1x16xf32> to vector<16xf32>
        %add3A_418 = arith.addf %get3A_413, %get3A_417 : vector<16xf32>
        %swap3A_419 = arith.constant 2 : i32
        %swap3A_420 = arith.index_cast %swap3A_419 : i32 to index
        %swap3A_421 = arith.index_cast %scan3A_120 : i32 to index
        %swap3A_422 = arith.constant 0 : index
        %swap3A_423 = tpu.vector_load %arg8[%swap3A_420, %swap3A_421, %swap3A_422] {strides = array<i32>} : memref<4x50x128xf32, #tpu.memory_space<vmem>>, vector<1x1x16xf32>,
        %swap3A_424 = vector.shape_cast %swap3A_423 : vector<1x1x16xf32> to vector<16xf32>
        %swap3A_425 = vector.shape_cast %add3A_418 : vector<16xf32> to vector<1x1x16xf32>
        tpu.vector_store %arg8[%swap3A_420, %swap3A_421, %swap3A_422], %swap3A_425 {strides = array<i32>} : memref<4x50x128xf32, #tpu.memory_space<vmem>>, vector<1x1x16xf32>,
        %get3A_426 = arith.constant 2 : i32
        %get3A_427 = arith.index_cast %get3A_426 : i32 to index
        %get3A_428 = arith.index_cast %scan3A_120 : i32 to index
        %get3A_429 = arith.constant 16 : index
        %get3A_430 = tpu.vector_load %arg6[%get3A_427, %get3A_428, %get3A_429] {strides = array<i32>} : memref<4x50x128xf32, #tpu.memory_space<vmem>>, vector<1x1x16xf32>,
        %get3A_431 = vector.shape_cast %get3A_430 : vector<1x1x16xf32> to vector<16xf32>
        %get3A_432 = arith.index_cast %scan3A_120 : i32 to index
        %get3A_433 = arith.constant 16 : index
        %get3A_434 = tpu.vector_load %arg5[%get3A_432, %get3A_433] {strides = array<i32>} : memref<55x128xf32, #tpu.memory_space<vmem>>, vector<1x16xf32>,
        %get3A_435 = vector.shape_cast %get3A_434 : vector<1x16xf32> to vector<16xf32>
        %add3A_436 = arith.addf %get3A_431, %get3A_435 : vector<16xf32>
        %swap3A_437 = arith.constant 2 : i32
        %swap3A_438 = arith.index_cast %swap3A_437 : i32 to index
        %swap3A_439 = arith.index_cast %scan3A_120 : i32 to index
        %swap3A_440 = arith.constant 16 : index
        %swap3A_441 = tpu.vector_load %arg8[%swap3A_438, %swap3A_439, %swap3A_440] {strides = array<i32>} : memref<4x50x128xf32, #tpu.memory_space<vmem>>, vector<1x1x16xf32>,
        %swap3A_442 = vector.shape_cast %swap3A_441 : vector<1x1x16xf32> to vector<16xf32>
        %swap3A_443 = vector.shape_cast %add3A_436 : vector<16xf32> to vector<1x1x16xf32>
        tpu.vector_store %arg8[%swap3A_438, %swap3A_439, %swap3A_440], %swap3A_443 {strides = array<i32>} : memref<4x50x128xf32, #tpu.memory_space<vmem>>, vector<1x1x16xf32>,
        %get3A_444 = arith.constant 2 : i32
        %get3A_445 = arith.index_cast %get3A_444 : i32 to index
        %get3A_446 = arith.index_cast %scan3A_120 : i32 to index
        %get3A_447 = arith.constant 32 : index
        %get3A_448 = tpu.vector_load %arg6[%get3A_445, %get3A_446, %get3A_447] {strides = array<i32>} : memref<4x50x128xf32, #tpu.memory_space<vmem>>, vector<1x1x16xf32>,
        %get3A_449 = vector.shape_cast %get3A_448 : vector<1x1x16xf32> to vector<16xf32>
        %get3A_450 = arith.index_cast %scan3A_120 : i32 to index
        %get3A_451 = arith.constant 32 : index
        %get3A_452 = tpu.vector_load %arg5[%get3A_450, %get3A_451] {strides = array<i32>} : memref<55x128xf32, #tpu.memory_space<vmem>>, vector<1x16xf32>,
        %get3A_453 = vector.shape_cast %get3A_452 : vector<1x16xf32> to vector<16xf32>
        %add3A_454 = arith.addf %get3A_449, %get3A_453 : vector<16xf32>
        %swap3A_455 = arith.constant 2 : i32
        %swap3A_456 = arith.index_cast %swap3A_455 : i32 to index
        %swap3A_457 = arith.index_cast %scan3A_120 : i32 to index
        %swap3A_458 = arith.constant 32 : index
        %swap3A_459 = tpu.vector_load %arg8[%swap3A_456, %swap3A_457, %swap3A_458] {strides = array<i32>} : memref<4x50x128xf32, #tpu.memory_space<vmem>>, vector<1x1x16xf32>,
        %swap3A_460 = vector.shape_cast %swap3A_459 : vector<1x1x16xf32> to vector<16xf32>
        %swap3A_461 = vector.shape_cast %add3A_454 : vector<16xf32> to vector<1x1x16xf32>
        tpu.vector_store %arg8[%swap3A_456, %swap3A_457, %swap3A_458], %swap3A_461 {strides = array<i32>} : memref<4x50x128xf32, #tpu.memory_space<vmem>>, vector<1x1x16xf32>,
        %get3A_462 = arith.constant 2 : i32
        %get3A_463 = arith.index_cast %get3A_462 : i32 to index
        %get3A_464 = arith.index_cast %scan3A_120 : i32 to index
        %get3A_465 = arith.constant 48 : index
        %get3A_466 = tpu.vector_load %arg6[%get3A_463, %get3A_464, %get3A_465] {strides = array<i32>} : memref<4x50x128xf32, #tpu.memory_space<vmem>>, vector<1x1x16xf32>,
        %get3A_467 = vector.shape_cast %get3A_466 : vector<1x1x16xf32> to vector<16xf32>
        %get3A_468 = arith.index_cast %scan3A_120 : i32 to index
        %get3A_469 = arith.constant 48 : index
        %get3A_470 = tpu.vector_load %arg5[%get3A_468, %get3A_469] {strides = array<i32>} : memref<55x128xf32, #tpu.memory_space<vmem>>, vector<1x16xf32>,
        %get3A_471 = vector.shape_cast %get3A_470 : vector<1x16xf32> to vector<16xf32>
        %add3A_472 = arith.addf %get3A_467, %get3A_471 : vector<16xf32>
        %swap3A_473 = arith.constant 2 : i32
        %swap3A_474 = arith.index_cast %swap3A_473 : i32 to index
        %swap3A_475 = arith.index_cast %scan3A_120 : i32 to index
        %swap3A_476 = arith.constant 48 : index
        %swap3A_477 = tpu.vector_load %arg8[%swap3A_474, %swap3A_475, %swap3A_476] {strides = array<i32>} : memref<4x50x128xf32, #tpu.memory_space<vmem>>, vector<1x1x16xf32>,
        %swap3A_478 = vector.shape_cast %swap3A_477 : vector<1x1x16xf32> to vector<16xf32>
        %swap3A_479 = vector.shape_cast %add3A_472 : vector<16xf32> to vector<1x1x16xf32>
        tpu.vector_store %arg8[%swap3A_474, %swap3A_475, %swap3A_476], %swap3A_479 {strides = array<i32>} : memref<4x50x128xf32, #tpu.memory_space<vmem>>, vector<1x1x16xf32>,
        %get3A_480 = arith.constant 2 : i32
        %get3A_481 = arith.index_cast %get3A_480 : i32 to index
        %get3A_482 = arith.index_cast %scan3A_120 : i32 to index
        %get3A_483 = arith.constant 64 : index
        %get3A_484 = tpu.vector_load %arg6[%get3A_481, %get3A_482, %get3A_483] {strides = array<i32>} : memref<4x50x128xf32, #tpu.memory_space<vmem>>, vector<1x1x16xf32>,
        %get3A_485 = vector.shape_cast %get3A_484 : vector<1x1x16xf32> to vector<16xf32>
        %get3A_486 = arith.index_cast %scan3A_120 : i32 to index
        %get3A_487 = arith.constant 64 : index
        %get3A_488 = tpu.vector_load %arg5[%get3A_486, %get3A_487] {strides = array<i32>} : memref<55x128xf32, #tpu.memory_space<vmem>>, vector<1x16xf32>,
        %get3A_489 = vector.shape_cast %get3A_488 : vector<1x16xf32> to vector<16xf32>
        %add3A_490 = arith.addf %get3A_485, %get3A_489 : vector<16xf32>
        %swap3A_491 = arith.constant 2 : i32
        %swap3A_492 = arith.index_cast %swap3A_491 : i32 to index
        %swap3A_493 = arith.index_cast %scan3A_120 : i32 to index
        %swap3A_494 = arith.constant 64 : index
        %swap3A_495 = tpu.vector_load %arg8[%swap3A_492, %swap3A_493, %swap3A_494] {strides = array<i32>} : memref<4x50x128xf32, #tpu.memory_space<vmem>>, vector<1x1x16xf32>,
        %swap3A_496 = vector.shape_cast %swap3A_495 : vector<1x1x16xf32> to vector<16xf32>
        %swap3A_497 = vector.shape_cast %add3A_490 : vector<16xf32> to vector<1x1x16xf32>
        tpu.vector_store %arg8[%swap3A_492, %swap3A_493, %swap3A_494], %swap3A_497 {strides = array<i32>} : memref<4x50x128xf32, #tpu.memory_space<vmem>>, vector<1x1x16xf32>,
        %get3A_498 = arith.constant 2 : i32
        %get3A_499 = arith.index_cast %get3A_498 : i32 to index
        %get3A_500 = arith.index_cast %scan3A_120 : i32 to index
        %get3A_501 = arith.constant 80 : index
        %get3A_502 = tpu.vector_load %arg6[%get3A_499, %get3A_500, %get3A_501] {strides = array<i32>} : memref<4x50x128xf32, #tpu.memory_space<vmem>>, vector<1x1x16xf32>,
        %get3A_503 = vector.shape_cast %get3A_502 : vector<1x1x16xf32> to vector<16xf32>
        %get3A_504 = arith.index_cast %scan3A_120 : i32 to index
        %get3A_505 = arith.constant 80 : index
        %get3A_506 = tpu.vector_load %arg5[%get3A_504, %get3A_505] {strides = array<i32>} : memref<55x128xf32, #tpu.memory_space<vmem>>, vector<1x16xf32>,
        %get3A_507 = vector.shape_cast %get3A_506 : vector<1x16xf32> to vector<16xf32>
        %add3A_508 = arith.addf %get3A_503, %get3A_507 : vector<16xf32>
        %swap3A_509 = arith.constant 2 : i32
        %swap3A_510 = arith.index_cast %swap3A_509 : i32 to index
        %swap3A_511 = arith.index_cast %scan3A_120 : i32 to index
        %swap3A_512 = arith.constant 80 : index
        %swap3A_513 = tpu.vector_load %arg8[%swap3A_510, %swap3A_511, %swap3A_512] {strides = array<i32>} : memref<4x50x128xf32, #tpu.memory_space<vmem>>, vector<1x1x16xf32>,
        %swap3A_514 = vector.shape_cast %swap3A_513 : vector<1x1x16xf32> to vector<16xf32>
        %swap3A_515 = vector.shape_cast %add3A_508 : vector<16xf32> to vector<1x1x16xf32>
        tpu.vector_store %arg8[%swap3A_510, %swap3A_511, %swap3A_512], %swap3A_515 {strides = array<i32>} : memref<4x50x128xf32, #tpu.memory_space<vmem>>, vector<1x1x16xf32>,
        %get3A_516 = arith.constant 2 : i32
        %get3A_517 = arith.index_cast %get3A_516 : i32 to index
        %get3A_518 = arith.index_cast %scan3A_120 : i32 to index
        %get3A_519 = arith.constant 96 : index
        %get3A_520 = tpu.vector_load %arg6[%get3A_517, %get3A_518, %get3A_519] {strides = array<i32>} : memref<4x50x128xf32, #tpu.memory_space<vmem>>, vector<1x1x16xf32>,
        %get3A_521 = vector.shape_cast %get3A_520 : vector<1x1x16xf32> to vector<16xf32>
        %get3A_522 = arith.index_cast %scan3A_120 : i32 to index
        %get3A_523 = arith.constant 96 : index
        %get3A_524 = tpu.vector_load %arg5[%get3A_522, %get3A_523] {strides = array<i32>} : memref<55x128xf32, #tpu.memory_space<vmem>>, vector<1x16xf32>,
        %get3A_525 = vector.shape_cast %get3A_524 : vector<1x16xf32> to vector<16xf32>
        %add3A_526 = arith.addf %get3A_521, %get3A_525 : vector<16xf32>
        %swap3A_527 = arith.constant 2 : i32
        %swap3A_528 = arith.index_cast %swap3A_527 : i32 to index
        %swap3A_529 = arith.index_cast %scan3A_120 : i32 to index
        %swap3A_530 = arith.constant 96 : index
        %swap3A_531 = tpu.vector_load %arg8[%swap3A_528, %swap3A_529, %swap3A_530] {strides = array<i32>} : memref<4x50x128xf32, #tpu.memory_space<vmem>>, vector<1x1x16xf32>,
        %swap3A_532 = vector.shape_cast %swap3A_531 : vector<1x1x16xf32> to vector<16xf32>
        %swap3A_533 = vector.shape_cast %add3A_526 : vector<16xf32> to vector<1x1x16xf32>
        tpu.vector_store %arg8[%swap3A_528, %swap3A_529, %swap3A_530], %swap3A_533 {strides = array<i32>} : memref<4x50x128xf32, #tpu.memory_space<vmem>>, vector<1x1x16xf32>,
        %get3A_534 = arith.constant 2 : i32
        %get3A_535 = arith.index_cast %get3A_534 : i32 to index
        %get3A_536 = arith.index_cast %scan3A_120 : i32 to index
        %get3A_537 = arith.constant 112 : index
        %get3A_538 = tpu.vector_load %arg6[%get3A_535, %get3A_536, %get3A_537] {strides = array<i32>} : memref<4x50x128xf32, #tpu.memory_space<vmem>>, vector<1x1x16xf32>,
        %get3A_539 = vector.shape_cast %get3A_538 : vector<1x1x16xf32> to vector<16xf32>
        %get3A_540 = arith.index_cast %scan3A_120 : i32 to index
        %get3A_541 = arith.constant 112 : index
        %get3A_542 = tpu.vector_load %arg5[%get3A_540, %get3A_541] {strides = array<i32>} : memref<55x128xf32, #tpu.memory_space<vmem>>, vector<1x16xf32>,
        %get3A_543 = vector.shape_cast %get3A_542 : vector<1x16xf32> to vector<16xf32>
        %add3A_544 = arith.addf %get3A_539, %get3A_543 : vector<16xf32>
        %swap3A_545 = arith.constant 2 : i32
        %swap3A_546 = arith.index_cast %swap3A_545 : i32 to index
        %swap3A_547 = arith.index_cast %scan3A_120 : i32 to index
        %swap3A_548 = arith.constant 112 : index
        %swap3A_549 = tpu.vector_load %arg8[%swap3A_546, %swap3A_547, %swap3A_548] {strides = array<i32>} : memref<4x50x128xf32, #tpu.memory_space<vmem>>, vector<1x1x16xf32>,
        %swap3A_550 = vector.shape_cast %swap3A_549 : vector<1x1x16xf32> to vector<16xf32>
        %swap3A_551 = vector.shape_cast %add3A_544 : vector<16xf32> to vector<1x1x16xf32>
        tpu.vector_store %arg8[%swap3A_546, %swap3A_547, %swap3A_548], %swap3A_551 {strides = array<i32>} : memref<4x50x128xf32, #tpu.memory_space<vmem>>, vector<1x1x16xf32>,
        %get3A_552 = arith.constant 3 : i32
        %get3A_553 = arith.index_cast %get3A_552 : i32 to index
        %get3A_554 = arith.index_cast %scan3A_120 : i32 to index
        %get3A_555 = arith.constant 0 : index
        %get3A_556 = tpu.vector_load %arg6[%get3A_553, %get3A_554, %get3A_555] {strides = array<i32>} : memref<4x50x128xf32, #tpu.memory_space<vmem>>, vector<1x1x16xf32>,
        %get3A_557 = vector.shape_cast %get3A_556 : vector<1x1x16xf32> to vector<16xf32>
        %get3A_558 = arith.index_cast %scan3A_120 : i32 to index
        %get3A_559 = arith.constant 0 : index
        %get3A_560 = tpu.vector_load %arg5[%get3A_558, %get3A_559] {strides = array<i32>} : memref<55x128xf32, #tpu.memory_space<vmem>>, vector<1x16xf32>,
        %get3A_561 = vector.shape_cast %get3A_560 : vector<1x16xf32> to vector<16xf32>
        %add3A_562 = arith.addf %get3A_557, %get3A_561 : vector<16xf32>
        %swap3A_563 = arith.constant 3 : i32
        %swap3A_564 = arith.index_cast %swap3A_563 : i32 to index
        %swap3A_565 = arith.index_cast %scan3A_120 : i32 to index
        %swap3A_566 = arith.constant 0 : index
        %swap3A_567 = tpu.vector_load %arg8[%swap3A_564, %swap3A_565, %swap3A_566] {strides = array<i32>} : memref<4x50x128xf32, #tpu.memory_space<vmem>>, vector<1x1x16xf32>,
        %swap3A_568 = vector.shape_cast %swap3A_567 : vector<1x1x16xf32> to vector<16xf32>
        %swap3A_569 = vector.shape_cast %add3A_562 : vector<16xf32> to vector<1x1x16xf32>
        tpu.vector_store %arg8[%swap3A_564, %swap3A_565, %swap3A_566], %swap3A_569 {strides = array<i32>} : memref<4x50x128xf32, #tpu.memory_space<vmem>>, vector<1x1x16xf32>,
        %get3A_570 = arith.constant 3 : i32
        %get3A_571 = arith.index_cast %get3A_570 : i32 to index
        %get3A_572 = arith.index_cast %scan3A_120 : i32 to index
        %get3A_573 = arith.constant 16 : index
        %get3A_574 = tpu.vector_load %arg6[%get3A_571, %get3A_572, %get3A_573] {strides = array<i32>} : memref<4x50x128xf32, #tpu.memory_space<vmem>>, vector<1x1x16xf32>,
        %get3A_575 = vector.shape_cast %get3A_574 : vector<1x1x16xf32> to vector<16xf32>
        %get3A_576 = arith.index_cast %scan3A_120 : i32 to index
        %get3A_577 = arith.constant 16 : index
        %get3A_578 = tpu.vector_load %arg5[%get3A_576, %get3A_577] {strides = array<i32>} : memref<55x128xf32, #tpu.memory_space<vmem>>, vector<1x16xf32>,
        %get3A_579 = vector.shape_cast %get3A_578 : vector<1x16xf32> to vector<16xf32>
        %add3A_580 = arith.addf %get3A_575, %get3A_579 : vector<16xf32>
        %swap3A_581 = arith.constant 3 : i32
        %swap3A_582 = arith.index_cast %swap3A_581 : i32 to index
        %swap3A_583 = arith.index_cast %scan3A_120 : i32 to index
        %swap3A_584 = arith.constant 16 : index
        %swap3A_585 = tpu.vector_load %arg8[%swap3A_582, %swap3A_583, %swap3A_584] {strides = array<i32>} : memref<4x50x128xf32, #tpu.memory_space<vmem>>, vector<1x1x16xf32>,
        %swap3A_586 = vector.shape_cast %swap3A_585 : vector<1x1x16xf32> to vector<16xf32>
        %swap3A_587 = vector.shape_cast %add3A_580 : vector<16xf32> to vector<1x1x16xf32>
        tpu.vector_store %arg8[%swap3A_582, %swap3A_583, %swap3A_584], %swap3A_587 {strides = array<i32>} : memref<4x50x128xf32, #tpu.memory_space<vmem>>, vector<1x1x16xf32>,
        %get3A_588 = arith.constant 3 : i32
        %get3A_589 = arith.index_cast %get3A_588 : i32 to index
        %get3A_590 = arith.index_cast %scan3A_120 : i32 to index
        %get3A_591 = arith.constant 32 : index
        %get3A_592 = tpu.vector_load %arg6[%get3A_589, %get3A_590, %get3A_591] {strides = array<i32>} : memref<4x50x128xf32, #tpu.memory_space<vmem>>, vector<1x1x16xf32>,
        %get3A_593 = vector.shape_cast %get3A_592 : vector<1x1x16xf32> to vector<16xf32>
        %get3A_594 = arith.index_cast %scan3A_120 : i32 to index
        %get3A_595 = arith.constant 32 : index
        %get3A_596 = tpu.vector_load %arg5[%get3A_594, %get3A_595] {strides = array<i32>} : memref<55x128xf32, #tpu.memory_space<vmem>>, vector<1x16xf32>,
        %get3A_597 = vector.shape_cast %get3A_596 : vector<1x16xf32> to vector<16xf32>
        %add3A_598 = arith.addf %get3A_593, %get3A_597 : vector<16xf32>
        %swap3A_599 = arith.constant 3 : i32
        %swap3A_600 = arith.index_cast %swap3A_599 : i32 to index
        %swap3A_601 = arith.index_cast %scan3A_120 : i32 to index
        %swap3A_602 = arith.constant 32 : index
        %swap3A_603 = tpu.vector_load %arg8[%swap3A_600, %swap3A_601, %swap3A_602] {strides = array<i32>} : memref<4x50x128xf32, #tpu.memory_space<vmem>>, vector<1x1x16xf32>,
        %swap3A_604 = vector.shape_cast %swap3A_603 : vector<1x1x16xf32> to vector<16xf32>
        %swap3A_605 = vector.shape_cast %add3A_598 : vector<16xf32> to vector<1x1x16xf32>
        tpu.vector_store %arg8[%swap3A_600, %swap3A_601, %swap3A_602], %swap3A_605 {strides = array<i32>} : memref<4x50x128xf32, #tpu.memory_space<vmem>>, vector<1x1x16xf32>,
        %get3A_606 = arith.constant 3 : i32
        %get3A_607 = arith.index_cast %get3A_606 : i32 to index
        %get3A_608 = arith.index_cast %scan3A_120 : i32 to index
        %get3A_609 = arith.constant 48 : index
        %get3A_610 = tpu.vector_load %arg6[%get3A_607, %get3A_608, %get3A_609] {strides = array<i32>} : memref<4x50x128xf32, #tpu.memory_space<vmem>>, vector<1x1x16xf32>,
        %get3A_611 = vector.shape_cast %get3A_610 : vector<1x1x16xf32> to vector<16xf32>
        %get3A_612 = arith.index_cast %scan3A_120 : i32 to index
        %get3A_613 = arith.constant 48 : index
        %get3A_614 = tpu.vector_load %arg5[%get3A_612, %get3A_613] {strides = array<i32>} : memref<55x128xf32, #tpu.memory_space<vmem>>, vector<1x16xf32>,
        %get3A_615 = vector.shape_cast %get3A_614 : vector<1x16xf32> to vector<16xf32>
        %add3A_616 = arith.addf %get3A_611, %get3A_615 : vector<16xf32>
        %swap3A_617 = arith.constant 3 : i32
        %swap3A_618 = arith.index_cast %swap3A_617 : i32 to index
        %swap3A_619 = arith.index_cast %scan3A_120 : i32 to index
        %swap3A_620 = arith.constant 48 : index
        %swap3A_621 = tpu.vector_load %arg8[%swap3A_618, %swap3A_619, %swap3A_620] {strides = array<i32>} : memref<4x50x128xf32, #tpu.memory_space<vmem>>, vector<1x1x16xf32>,
        %swap3A_622 = vector.shape_cast %swap3A_621 : vector<1x1x16xf32> to vector<16xf32>
        %swap3A_623 = vector.shape_cast %add3A_616 : vector<16xf32> to vector<1x1x16xf32>
        tpu.vector_store %arg8[%swap3A_618, %swap3A_619, %swap3A_620], %swap3A_623 {strides = array<i32>} : memref<4x50x128xf32, #tpu.memory_space<vmem>>, vector<1x1x16xf32>,
        %get3A_624 = arith.constant 3 : i32
        %get3A_625 = arith.index_cast %get3A_624 : i32 to index
        %get3A_626 = arith.index_cast %scan3A_120 : i32 to index
        %get3A_627 = arith.constant 64 : index
        %get3A_628 = tpu.vector_load %arg6[%get3A_625, %get3A_626, %get3A_627] {strides = array<i32>} : memref<4x50x128xf32, #tpu.memory_space<vmem>>, vector<1x1x16xf32>,
        %get3A_629 = vector.shape_cast %get3A_628 : vector<1x1x16xf32> to vector<16xf32>
        %get3A_630 = arith.index_cast %scan3A_120 : i32 to index
        %get3A_631 = arith.constant 64 : index
        %get3A_632 = tpu.vector_load %arg5[%get3A_630, %get3A_631] {strides = array<i32>} : memref<55x128xf32, #tpu.memory_space<vmem>>, vector<1x16xf32>,
        %get3A_633 = vector.shape_cast %get3A_632 : vector<1x16xf32> to vector<16xf32>
        %add3A_634 = arith.addf %get3A_629, %get3A_633 : vector<16xf32>
        %swap3A_635 = arith.constant 3 : i32
        %swap3A_636 = arith.index_cast %swap3A_635 : i32 to index
        %swap3A_637 = arith.index_cast %scan3A_120 : i32 to index
        %swap3A_638 = arith.constant 64 : index
        %swap3A_639 = tpu.vector_load %arg8[%swap3A_636, %swap3A_637, %swap3A_638] {strides = array<i32>} : memref<4x50x128xf32, #tpu.memory_space<vmem>>, vector<1x1x16xf32>,
        %swap3A_640 = vector.shape_cast %swap3A_639 : vector<1x1x16xf32> to vector<16xf32>
        %swap3A_641 = vector.shape_cast %add3A_634 : vector<16xf32> to vector<1x1x16xf32>
        tpu.vector_store %arg8[%swap3A_636, %swap3A_637, %swap3A_638], %swap3A_641 {strides = array<i32>} : memref<4x50x128xf32, #tpu.memory_space<vmem>>, vector<1x1x16xf32>,
        %get3A_642 = arith.constant 3 : i32
        %get3A_643 = arith.index_cast %get3A_642 : i32 to index
        %get3A_644 = arith.index_cast %scan3A_120 : i32 to index
        %get3A_645 = arith.constant 80 : index
        %get3A_646 = tpu.vector_load %arg6[%get3A_643, %get3A_644, %get3A_645] {strides = array<i32>} : memref<4x50x128xf32, #tpu.memory_space<vmem>>, vector<1x1x16xf32>,
        %get3A_647 = vector.shape_cast %get3A_646 : vector<1x1x16xf32> to vector<16xf32>
        %get3A_648 = arith.index_cast %scan3A_120 : i32 to index
        %get3A_649 = arith.constant 80 : index
        %get3A_650 = tpu.vector_load %arg5[%get3A_648, %get3A_649] {strides = array<i32>} : memref<55x128xf32, #tpu.memory_space<vmem>>, vector<1x16xf32>,
        %get3A_651 = vector.shape_cast %get3A_650 : vector<1x16xf32> to vector<16xf32>
        %add3A_652 = arith.addf %get3A_647, %get3A_651 : vector<16xf32>
        %swap3A_653 = arith.constant 3 : i32
        %swap3A_654 = arith.index_cast %swap3A_653 : i32 to index
        %swap3A_655 = arith.index_cast %scan3A_120 : i32 to index
        %swap3A_656 = arith.constant 80 : index
        %swap3A_657 = tpu.vector_load %arg8[%swap3A_654, %swap3A_655, %swap3A_656] {strides = array<i32>} : memref<4x50x128xf32, #tpu.memory_space<vmem>>, vector<1x1x16xf32>,
        %swap3A_658 = vector.shape_cast %swap3A_657 : vector<1x1x16xf32> to vector<16xf32>
        %swap3A_659 = vector.shape_cast %add3A_652 : vector<16xf32> to vector<1x1x16xf32>
        tpu.vector_store %arg8[%swap3A_654, %swap3A_655, %swap3A_656], %swap3A_659 {strides = array<i32>} : memref<4x50x128xf32, #tpu.memory_space<vmem>>, vector<1x1x16xf32>,
        %get3A_660 = arith.constant 3 : i32
        %get3A_661 = arith.index_cast %get3A_660 : i32 to index
        %get3A_662 = arith.index_cast %scan3A_120 : i32 to index
        %get3A_663 = arith.constant 96 : index
        %get3A_664 = tpu.vector_load %arg6[%get3A_661, %get3A_662, %get3A_663] {strides = array<i32>} : memref<4x50x128xf32, #tpu.memory_space<vmem>>, vector<1x1x16xf32>,
        %get3A_665 = vector.shape_cast %get3A_664 : vector<1x1x16xf32> to vector<16xf32>
        %get3A_666 = arith.index_cast %scan3A_120 : i32 to index
        %get3A_667 = arith.constant 96 : index
        %get3A_668 = tpu.vector_load %arg5[%get3A_666, %get3A_667] {strides = array<i32>} : memref<55x128xf32, #tpu.memory_space<vmem>>, vector<1x16xf32>,
        %get3A_669 = vector.shape_cast %get3A_668 : vector<1x16xf32> to vector<16xf32>
        %add3A_670 = arith.addf %get3A_665, %get3A_669 : vector<16xf32>
        %swap3A_671 = arith.constant 3 : i32
        %swap3A_672 = arith.index_cast %swap3A_671 : i32 to index
        %swap3A_673 = arith.index_cast %scan3A_120 : i32 to index
        %swap3A_674 = arith.constant 96 : index
        %swap3A_675 = tpu.vector_load %arg8[%swap3A_672, %swap3A_673, %swap3A_674] {strides = array<i32>} : memref<4x50x128xf32, #tpu.memory_space<vmem>>, vector<1x1x16xf32>,
        %swap3A_676 = vector.shape_cast %swap3A_675 : vector<1x1x16xf32> to vector<16xf32>
        %swap3A_677 = vector.shape_cast %add3A_670 : vector<16xf32> to vector<1x1x16xf32>
        tpu.vector_store %arg8[%swap3A_672, %swap3A_673, %swap3A_674], %swap3A_677 {strides = array<i32>} : memref<4x50x128xf32, #tpu.memory_space<vmem>>, vector<1x1x16xf32>,
        %get3A_678 = arith.constant 3 : i32
        %get3A_679 = arith.index_cast %get3A_678 : i32 to index
        %get3A_680 = arith.index_cast %scan3A_120 : i32 to index
        %get3A_681 = arith.constant 112 : index
        %get3A_682 = tpu.vector_load %arg6[%get3A_679, %get3A_680, %get3A_681] {strides = array<i32>} : memref<4x50x128xf32, #tpu.memory_space<vmem>>, vector<1x1x16xf32>,
        %get3A_683 = vector.shape_cast %get3A_682 : vector<1x1x16xf32> to vector<16xf32>
        %get3A_684 = arith.index_cast %scan3A_120 : i32 to index
        %get3A_685 = arith.constant 112 : index
        %get3A_686 = tpu.vector_load %arg5[%get3A_684, %get3A_685] {strides = array<i32>} : memref<55x128xf32, #tpu.memory_space<vmem>>, vector<1x16xf32>,
        %get3A_687 = vector.shape_cast %get3A_686 : vector<1x16xf32> to vector<16xf32>
        %add3A_688 = arith.addf %get3A_683, %get3A_687 : vector<16xf32>
        %swap3A_689 = arith.constant 3 : i32
        %swap3A_690 = arith.index_cast %swap3A_689 : i32 to index
        %swap3A_691 = arith.index_cast %scan3A_120 : i32 to index
        %swap3A_692 = arith.constant 112 : index
        %swap3A_693 = tpu.vector_load %arg8[%swap3A_690, %swap3A_691, %swap3A_692] {strides = array<i32>} : memref<4x50x128xf32, #tpu.memory_space<vmem>>, vector<1x1x16xf32>,
        %swap3A_694 = vector.shape_cast %swap3A_693 : vector<1x1x16xf32> to vector<16xf32>
        %swap3A_695 = vector.shape_cast %add3A_688 : vector<16xf32> to vector<1x1x16xf32>
        tpu.vector_store %arg8[%swap3A_690, %swap3A_691, %swap3A_692], %swap3A_695 {strides = array<i32>} : memref<4x50x128xf32, #tpu.memory_space<vmem>>, vector<1x1x16xf32>,
        %scan3A_696 = arith.constant 0 : i32
        scf.yield %scan3A_696 : i32
      }
      %scan3A_62 = arith.constant 50 : i32
      %mul3A_63 = arith.constant 4 : i32
      %mul3A_64 = arith.muli %add3A_44, %mul3A_63 : i32
      %add3A_65 = arith.addi %mul3A_2, %mul3A_64 : i32
      %dma_start3A_66 = arith.constant 0 : i32
      %dma_start3A_67 = arith.constant 0 : i32
      %dma_start3A_68 = tpu.memref_slice %arg4[%add3A_65, %dma_start3A_66, %dma_start3A_67] : memref<16384x50x128xf32, #tpu.memory_space<hbm>> -> memref<4x50x128xf32, #tpu.memory_space<hbm>>
      %dma_start3A_69 = arith.constant 0 : i32
      %dma_start3A_70 = arith.constant 0 : i32
      %dma_start3A_71 = tpu.memref_slice %arg4[%add3A_65, %dma_start3A_69, %dma_start3A_70] : memref<16384x50x128xf32, #tpu.memory_space<hbm>> -> memref<4x50x128xf32, #tpu.memory_space<hbm>>
      tpu.enqueue_dma source(%arg8 : memref<4x50x128xf32, #tpu.memory_space<vmem>>) target(%dma_start3A_71 : memref<4x50x128xf32, #tpu.memory_space<hbm>>) target_semaphore(%arg12 : memref<!tpu.dma_semaphore, #tpu.memory_space<semaphore_mem>>)
      %add3A_72 = arith.constant 2 : i32
      %add3A_73 = arith.addi %add3A_44, %add3A_72 : i32
      %lt3A = arith.constant 128 : i32
      %lt3A_74 = arith.cmpi slt, %add3A_73, %lt3A : i32
      %convert_element_type3A_75 = arith.extui %lt3A_74 : i1 to i32
      %cond3A_76 = arith.constant 0 : i32
      %cond3A_77 = arith.cmpi ne, %convert_element_type3A_75, %cond3A_76 : i32
      scf.if %cond3A_77 {
        %add3A_120 = arith.constant 2 : i32
        %add3A_121 = arith.addi %add3A_44, %add3A_120 : i32
        %mul3A_122 = arith.constant 4 : i32
        %mul3A_123 = arith.muli %add3A_121, %mul3A_122 : i32
        %add3A_124 = arith.addi %mul3A_2, %mul3A_123 : i32
        %dma_start3A_125 = arith.constant 0 : i32
        %dma_start3A_126 = arith.constant 0 : i32
        %dma_start3A_127 = tpu.memref_slice %arg2[%add3A_124, %dma_start3A_125, %dma_start3A_126] : memref<16384x50x128xf32, #tpu.memory_space<hbm>> -> memref<4x50x128xf32, #tpu.memory_space<hbm>>
        %dma_start3A_128 = arith.constant 0 : i32
        %dma_start3A_129 = arith.constant 0 : i32
        %dma_start3A_130 = tpu.memref_slice %arg2[%add3A_124, %dma_start3A_128, %dma_start3A_129] : memref<16384x50x128xf32, #tpu.memory_space<hbm>> -> memref<4x50x128xf32, #tpu.memory_space<hbm>>
        tpu.enqueue_dma source(%dma_start3A_130 : memref<4x50x128xf32, #tpu.memory_space<hbm>>) target(%arg6 : memref<4x50x128xf32, #tpu.memory_space<vmem>>) target_semaphore(%arg10 : memref<!tpu.dma_semaphore, #tpu.memory_space<semaphore_mem>>)
      } else {
      }
      %mul3A_78 = arith.constant 2 : i32
      %mul3A_79 = arith.muli %scan3A_39, %mul3A_78 : i32
      %add3A_80 = arith.constant 1 : i32
      %add3A_81 = arith.addi %mul3A_79, %add3A_80 : i32
      %mul3A_82 = arith.constant 4 : i32
      %mul3A_83 = arith.muli %add3A_81, %mul3A_82 : i32
      %add3A_84 = arith.addi %mul3A_2, %mul3A_83 : i32
      %dma_wait3A_85 = arith.constant 0 : i32
      %dma_wait3A_86 = arith.constant 0 : i32
      %dma_wait3A_87 = tpu.memref_slice %arg2[%add3A_84, %dma_wait3A_85, %dma_wait3A_86] : memref<16384x50x128xf32, #tpu.memory_space<hbm>> -> memref<4x50x128xf32, #tpu.memory_space<hbm>>
      %dma_wait3A_88 = arith.constant 0 : i32
      %dma_wait3A_89 = arith.constant 0 : i32
      %dma_wait3A_90 = tpu.memref_slice %arg2[%add3A_84, %dma_wait3A_88, %dma_wait3A_89] : memref<16384x50x128xf32, #tpu.memory_space<hbm>> -> memref<4x50x128xf32, #tpu.memory_space<hbm>>
      tpu.wait_dma2 semaphore(%arg11 : memref<!tpu.dma_semaphore, #tpu.memory_space<semaphore_mem>>) src(%dma_wait3A_90 : memref<4x50x128xf32, #tpu.memory_space<hbm>>) dst(%arg7 : memref<4x50x128xf32, #tpu.memory_space<vmem>>)
      %ge3A_91 = arith.constant 2 : i32
      %ge3A_92 = arith.cmpi sge, %add3A_81, %ge3A_91 : i32
      %convert_element_type3A_93 = arith.extui %ge3A_92 : i1 to i32
      %cond3A_94 = arith.constant 0 : i32
      %cond3A_95 = arith.cmpi ne, %convert_element_type3A_93, %cond3A_94 : i32
      scf.if %cond3A_95 {
        %sub3A = arith.constant 2 : i32
        %sub3A_120 = arith.subi %add3A_81, %sub3A : i32
        %mul3A_121 = arith.constant 4 : i32
        %mul3A_122 = arith.muli %sub3A_120, %mul3A_121 : i32
        %add3A_123 = arith.addi %mul3A_2, %mul3A_122 : i32
        %dma_wait3A_124 = arith.constant 0 : i32
        %dma_wait3A_125 = arith.constant 0 : i32
        %dma_wait3A_126 = tpu.memref_slice %arg4[%add3A_123, %dma_wait3A_124, %dma_wait3A_125] : memref<16384x50x128xf32, #tpu.memory_space<hbm>> -> memref<4x50x128xf32, #tpu.memory_space<hbm>>
        %dma_wait3A_127 = arith.constant 0 : i32
        %dma_wait3A_128 = arith.constant 0 : i32
        %dma_wait3A_129 = tpu.memref_slice %arg4[%add3A_123, %dma_wait3A_127, %dma_wait3A_128] : memref<16384x50x128xf32, #tpu.memory_space<hbm>> -> memref<4x50x128xf32, #tpu.memory_space<hbm>>
        tpu.wait_dma2 semaphore(%arg13 : memref<!tpu.dma_semaphore, #tpu.memory_space<semaphore_mem>>) src(%arg9 : memref<4x50x128xf32, #tpu.memory_space<vmem>>) dst(%dma_wait3A_129 : memref<4x50x128xf32, #tpu.memory_space<hbm>>)
      } else {
      }
      %scan3A_96 = arith.constant 0 : i32
      %scan3A_97 = arith.constant 0 : i32
      %scan3A_98 = arith.constant 50 : i32
      %scan3A_99 = arith.addi %scan3A_97, %scan3A_98 : i32
      %scan3A_100 = arith.constant 1 : i32
      %scan3A_101 = scf.for %scan3A_120 = %scan3A_97 to %scan3A_99 step %scan3A_100 iter_args(%scan3A_121 = %scan3A_96) -> (i32)  : i32 {
        %get3A = arith.constant 0 : i32
        %get3A_122 = arith.index_cast %get3A : i32 to index
        %get3A_123 = arith.index_cast %scan3A_120 : i32 to index
        %get3A_124 = arith.constant 0 : index
        %get3A_125 = tpu.vector_load %arg7[%get3A_122, %get3A_123, %get3A_124] {strides = array<i32>} : memref<4x50x128xf32, #tpu.memory_space<vmem>>, vector<1x1x16xf32>,
        %get3A_126 = vector.shape_cast %get3A_125 : vector<1x1x16xf32> to vector<16xf32>
        %get3A_127 = arith.index_cast %scan3A_120 : i32 to index
        %get3A_128 = arith.constant 0 : index
        %get3A_129 = tpu.vector_load %arg5[%get3A_127, %get3A_128] {strides = array<i32>} : memref<55x128xf32, #tpu.memory_space<vmem>>, vector<1x16xf32>,
        %get3A_130 = vector.shape_cast %get3A_129 : vector<1x16xf32> to vector<16xf32>
        %add3A_131 = arith.addf %get3A_126, %get3A_130 : vector<16xf32>
        %swap3A = arith.constant 0 : i32
        %swap3A_132 = arith.index_cast %swap3A : i32 to index
        %swap3A_133 = arith.index_cast %scan3A_120 : i32 to index
        %swap3A_134 = arith.constant 0 : index
        %swap3A_135 = tpu.vector_load %arg9[%swap3A_132, %swap3A_133, %swap3A_134] {strides = array<i32>} : memref<4x50x128xf32, #tpu.memory_space<vmem>>, vector<1x1x16xf32>,
        %swap3A_136 = vector.shape_cast %swap3A_135 : vector<1x1x16xf32> to vector<16xf32>
        %swap3A_137 = vector.shape_cast %add3A_131 : vector<16xf32> to vector<1x1x16xf32>
        tpu.vector_store %arg9[%swap3A_132, %swap3A_133, %swap3A_134], %swap3A_137 {strides = array<i32>} : memref<4x50x128xf32, #tpu.memory_space<vmem>>, vector<1x1x16xf32>,
        %get3A_138 = arith.constant 0 : i32
        %get3A_139 = arith.index_cast %get3A_138 : i32 to index
        %get3A_140 = arith.index_cast %scan3A_120 : i32 to index
        %get3A_141 = arith.constant 16 : index
        %get3A_142 = tpu.vector_load %arg7[%get3A_139, %get3A_140, %get3A_141] {strides = array<i32>} : memref<4x50x128xf32, #tpu.memory_space<vmem>>, vector<1x1x16xf32>,
        %get3A_143 = vector.shape_cast %get3A_142 : vector<1x1x16xf32> to vector<16xf32>
        %get3A_144 = arith.index_cast %scan3A_120 : i32 to index
        %get3A_145 = arith.constant 16 : index
        %get3A_146 = tpu.vector_load %arg5[%get3A_144, %get3A_145] {strides = array<i32>} : memref<55x128xf32, #tpu.memory_space<vmem>>, vector<1x16xf32>,
        %get3A_147 = vector.shape_cast %get3A_146 : vector<1x16xf32> to vector<16xf32>
        %add3A_148 = arith.addf %get3A_143, %get3A_147 : vector<16xf32>
        %swap3A_149 = arith.constant 0 : i32
        %swap3A_150 = arith.index_cast %swap3A_149 : i32 to index
        %swap3A_151 = arith.index_cast %scan3A_120 : i32 to index
        %swap3A_152 = arith.constant 16 : index
        %swap3A_153 = tpu.vector_load %arg9[%swap3A_150, %swap3A_151, %swap3A_152] {strides = array<i32>} : memref<4x50x128xf32, #tpu.memory_space<vmem>>, vector<1x1x16xf32>,
        %swap3A_154 = vector.shape_cast %swap3A_153 : vector<1x1x16xf32> to vector<16xf32>
        %swap3A_155 = vector.shape_cast %add3A_148 : vector<16xf32> to vector<1x1x16xf32>
        tpu.vector_store %arg9[%swap3A_150, %swap3A_151, %swap3A_152], %swap3A_155 {strides = array<i32>} : memref<4x50x128xf32, #tpu.memory_space<vmem>>, vector<1x1x16xf32>,
        %get3A_156 = arith.constant 0 : i32
        %get3A_157 = arith.index_cast %get3A_156 : i32 to index
        %get3A_158 = arith.index_cast %scan3A_120 : i32 to index
        %get3A_159 = arith.constant 32 : index
        %get3A_160 = tpu.vector_load %arg7[%get3A_157, %get3A_158, %get3A_159] {strides = array<i32>} : memref<4x50x128xf32, #tpu.memory_space<vmem>>, vector<1x1x16xf32>,
        %get3A_161 = vector.shape_cast %get3A_160 : vector<1x1x16xf32> to vector<16xf32>
        %get3A_162 = arith.index_cast %scan3A_120 : i32 to index
        %get3A_163 = arith.constant 32 : index
        %get3A_164 = tpu.vector_load %arg5[%get3A_162, %get3A_163] {strides = array<i32>} : memref<55x128xf32, #tpu.memory_space<vmem>>, vector<1x16xf32>,
        %get3A_165 = vector.shape_cast %get3A_164 : vector<1x16xf32> to vector<16xf32>
        %add3A_166 = arith.addf %get3A_161, %get3A_165 : vector<16xf32>
        %swap3A_167 = arith.constant 0 : i32
        %swap3A_168 = arith.index_cast %swap3A_167 : i32 to index
        %swap3A_169 = arith.index_cast %scan3A_120 : i32 to index
        %swap3A_170 = arith.constant 32 : index
        %swap3A_171 = tpu.vector_load %arg9[%swap3A_168, %swap3A_169, %swap3A_170] {strides = array<i32>} : memref<4x50x128xf32, #tpu.memory_space<vmem>>, vector<1x1x16xf32>,
        %swap3A_172 = vector.shape_cast %swap3A_171 : vector<1x1x16xf32> to vector<16xf32>
        %swap3A_173 = vector.shape_cast %add3A_166 : vector<16xf32> to vector<1x1x16xf32>
        tpu.vector_store %arg9[%swap3A_168, %swap3A_169, %swap3A_170], %swap3A_173 {strides = array<i32>} : memref<4x50x128xf32, #tpu.memory_space<vmem>>, vector<1x1x16xf32>,
        %get3A_174 = arith.constant 0 : i32
        %get3A_175 = arith.index_cast %get3A_174 : i32 to index
        %get3A_176 = arith.index_cast %scan3A_120 : i32 to index
        %get3A_177 = arith.constant 48 : index
        %get3A_178 = tpu.vector_load %arg7[%get3A_175, %get3A_176, %get3A_177] {strides = array<i32>} : memref<4x50x128xf32, #tpu.memory_space<vmem>>, vector<1x1x16xf32>,
        %get3A_179 = vector.shape_cast %get3A_178 : vector<1x1x16xf32> to vector<16xf32>
        %get3A_180 = arith.index_cast %scan3A_120 : i32 to index
        %get3A_181 = arith.constant 48 : index
        %get3A_182 = tpu.vector_load %arg5[%get3A_180, %get3A_181] {strides = array<i32>} : memref<55x128xf32, #tpu.memory_space<vmem>>, vector<1x16xf32>,
        %get3A_183 = vector.shape_cast %get3A_182 : vector<1x16xf32> to vector<16xf32>
        %add3A_184 = arith.addf %get3A_179, %get3A_183 : vector<16xf32>
        %swap3A_185 = arith.constant 0 : i32
        %swap3A_186 = arith.index_cast %swap3A_185 : i32 to index
        %swap3A_187 = arith.index_cast %scan3A_120 : i32 to index
        %swap3A_188 = arith.constant 48 : index
        %swap3A_189 = tpu.vector_load %arg9[%swap3A_186, %swap3A_187, %swap3A_188] {strides = array<i32>} : memref<4x50x128xf32, #tpu.memory_space<vmem>>, vector<1x1x16xf32>,
        %swap3A_190 = vector.shape_cast %swap3A_189 : vector<1x1x16xf32> to vector<16xf32>
        %swap3A_191 = vector.shape_cast %add3A_184 : vector<16xf32> to vector<1x1x16xf32>
        tpu.vector_store %arg9[%swap3A_186, %swap3A_187, %swap3A_188], %swap3A_191 {strides = array<i32>} : memref<4x50x128xf32, #tpu.memory_space<vmem>>, vector<1x1x16xf32>,
        %get3A_192 = arith.constant 0 : i32
        %get3A_193 = arith.index_cast %get3A_192 : i32 to index
        %get3A_194 = arith.index_cast %scan3A_120 : i32 to index
        %get3A_195 = arith.constant 64 : index
        %get3A_196 = tpu.vector_load %arg7[%get3A_193, %get3A_194, %get3A_195] {strides = array<i32>} : memref<4x50x128xf32, #tpu.memory_space<vmem>>, vector<1x1x16xf32>,
        %get3A_197 = vector.shape_cast %get3A_196 : vector<1x1x16xf32> to vector<16xf32>
        %get3A_198 = arith.index_cast %scan3A_120 : i32 to index
        %get3A_199 = arith.constant 64 : index
        %get3A_200 = tpu.vector_load %arg5[%get3A_198, %get3A_199] {strides = array<i32>} : memref<55x128xf32, #tpu.memory_space<vmem>>, vector<1x16xf32>,
        %get3A_201 = vector.shape_cast %get3A_200 : vector<1x16xf32> to vector<16xf32>
        %add3A_202 = arith.addf %get3A_197, %get3A_201 : vector<16xf32>
        %swap3A_203 = arith.constant 0 : i32
        %swap3A_204 = arith.index_cast %swap3A_203 : i32 to index
        %swap3A_205 = arith.index_cast %scan3A_120 : i32 to index
        %swap3A_206 = arith.constant 64 : index
        %swap3A_207 = tpu.vector_load %arg9[%swap3A_204, %swap3A_205, %swap3A_206] {strides = array<i32>} : memref<4x50x128xf32, #tpu.memory_space<vmem>>, vector<1x1x16xf32>,
        %swap3A_208 = vector.shape_cast %swap3A_207 : vector<1x1x16xf32> to vector<16xf32>
        %swap3A_209 = vector.shape_cast %add3A_202 : vector<16xf32> to vector<1x1x16xf32>
        tpu.vector_store %arg9[%swap3A_204, %swap3A_205, %swap3A_206], %swap3A_209 {strides = array<i32>} : memref<4x50x128xf32, #tpu.memory_space<vmem>>, vector<1x1x16xf32>,
        %get3A_210 = arith.constant 0 : i32
        %get3A_211 = arith.index_cast %get3A_210 : i32 to index
        %get3A_212 = arith.index_cast %scan3A_120 : i32 to index
        %get3A_213 = arith.constant 80 : index
        %get3A_214 = tpu.vector_load %arg7[%get3A_211, %get3A_212, %get3A_213] {strides = array<i32>} : memref<4x50x128xf32, #tpu.memory_space<vmem>>, vector<1x1x16xf32>,
        %get3A_215 = vector.shape_cast %get3A_214 : vector<1x1x16xf32> to vector<16xf32>
        %get3A_216 = arith.index_cast %scan3A_120 : i32 to index
        %get3A_217 = arith.constant 80 : index
        %get3A_218 = tpu.vector_load %arg5[%get3A_216, %get3A_217] {strides = array<i32>} : memref<55x128xf32, #tpu.memory_space<vmem>>, vector<1x16xf32>,
        %get3A_219 = vector.shape_cast %get3A_218 : vector<1x16xf32> to vector<16xf32>
        %add3A_220 = arith.addf %get3A_215, %get3A_219 : vector<16xf32>
        %swap3A_221 = arith.constant 0 : i32
        %swap3A_222 = arith.index_cast %swap3A_221 : i32 to index
        %swap3A_223 = arith.index_cast %scan3A_120 : i32 to index
        %swap3A_224 = arith.constant 80 : index
        %swap3A_225 = tpu.vector_load %arg9[%swap3A_222, %swap3A_223, %swap3A_224] {strides = array<i32>} : memref<4x50x128xf32, #tpu.memory_space<vmem>>, vector<1x1x16xf32>,
        %swap3A_226 = vector.shape_cast %swap3A_225 : vector<1x1x16xf32> to vector<16xf32>
        %swap3A_227 = vector.shape_cast %add3A_220 : vector<16xf32> to vector<1x1x16xf32>
        tpu.vector_store %arg9[%swap3A_222, %swap3A_223, %swap3A_224], %swap3A_227 {strides = array<i32>} : memref<4x50x128xf32, #tpu.memory_space<vmem>>, vector<1x1x16xf32>,
        %get3A_228 = arith.constant 0 : i32
        %get3A_229 = arith.index_cast %get3A_228 : i32 to index
        %get3A_230 = arith.index_cast %scan3A_120 : i32 to index
        %get3A_231 = arith.constant 96 : index
        %get3A_232 = tpu.vector_load %arg7[%get3A_229, %get3A_230, %get3A_231] {strides = array<i32>} : memref<4x50x128xf32, #tpu.memory_space<vmem>>, vector<1x1x16xf32>,
        %get3A_233 = vector.shape_cast %get3A_232 : vector<1x1x16xf32> to vector<16xf32>
        %get3A_234 = arith.index_cast %scan3A_120 : i32 to index
        %get3A_235 = arith.constant 96 : index
        %get3A_236 = tpu.vector_load %arg5[%get3A_234, %get3A_235] {strides = array<i32>} : memref<55x128xf32, #tpu.memory_space<vmem>>, vector<1x16xf32>,
        %get3A_237 = vector.shape_cast %get3A_236 : vector<1x16xf32> to vector<16xf32>
        %add3A_238 = arith.addf %get3A_233, %get3A_237 : vector<16xf32>
        %swap3A_239 = arith.constant 0 : i32
        %swap3A_240 = arith.index_cast %swap3A_239 : i32 to index
        %swap3A_241 = arith.index_cast %scan3A_120 : i32 to index
        %swap3A_242 = arith.constant 96 : index
        %swap3A_243 = tpu.vector_load %arg9[%swap3A_240, %swap3A_241, %swap3A_242] {strides = array<i32>} : memref<4x50x128xf32, #tpu.memory_space<vmem>>, vector<1x1x16xf32>,
        %swap3A_244 = vector.shape_cast %swap3A_243 : vector<1x1x16xf32> to vector<16xf32>
        %swap3A_245 = vector.shape_cast %add3A_238 : vector<16xf32> to vector<1x1x16xf32>
        tpu.vector_store %arg9[%swap3A_240, %swap3A_241, %swap3A_242], %swap3A_245 {strides = array<i32>} : memref<4x50x128xf32, #tpu.memory_space<vmem>>, vector<1x1x16xf32>,
        %get3A_246 = arith.constant 0 : i32
        %get3A_247 = arith.index_cast %get3A_246 : i32 to index
        %get3A_248 = arith.index_cast %scan3A_120 : i32 to index
        %get3A_249 = arith.constant 112 : index
        %get3A_250 = tpu.vector_load %arg7[%get3A_247, %get3A_248, %get3A_249] {strides = array<i32>} : memref<4x50x128xf32, #tpu.memory_space<vmem>>, vector<1x1x16xf32>,
        %get3A_251 = vector.shape_cast %get3A_250 : vector<1x1x16xf32> to vector<16xf32>
        %get3A_252 = arith.index_cast %scan3A_120 : i32 to index
        %get3A_253 = arith.constant 112 : index
        %get3A_254 = tpu.vector_load %arg5[%get3A_252, %get3A_253] {strides = array<i32>} : memref<55x128xf32, #tpu.memory_space<vmem>>, vector<1x16xf32>,
        %get3A_255 = vector.shape_cast %get3A_254 : vector<1x16xf32> to vector<16xf32>
        %add3A_256 = arith.addf %get3A_251, %get3A_255 : vector<16xf32>
        %swap3A_257 = arith.constant 0 : i32
        %swap3A_258 = arith.index_cast %swap3A_257 : i32 to index
        %swap3A_259 = arith.index_cast %scan3A_120 : i32 to index
        %swap3A_260 = arith.constant 112 : index
        %swap3A_261 = tpu.vector_load %arg9[%swap3A_258, %swap3A_259, %swap3A_260] {strides = array<i32>} : memref<4x50x128xf32, #tpu.memory_space<vmem>>, vector<1x1x16xf32>,
        %swap3A_262 = vector.shape_cast %swap3A_261 : vector<1x1x16xf32> to vector<16xf32>
        %swap3A_263 = vector.shape_cast %add3A_256 : vector<16xf32> to vector<1x1x16xf32>
        tpu.vector_store %arg9[%swap3A_258, %swap3A_259, %swap3A_260], %swap3A_263 {strides = array<i32>} : memref<4x50x128xf32, #tpu.memory_space<vmem>>, vector<1x1x16xf32>,
        %get3A_264 = arith.constant 1 : i32
        %get3A_265 = arith.index_cast %get3A_264 : i32 to index
        %get3A_266 = arith.index_cast %scan3A_120 : i32 to index
        %get3A_267 = arith.constant 0 : index
        %get3A_268 = tpu.vector_load %arg7[%get3A_265, %get3A_266, %get3A_267] {strides = array<i32>} : memref<4x50x128xf32, #tpu.memory_space<vmem>>, vector<1x1x16xf32>,
        %get3A_269 = vector.shape_cast %get3A_268 : vector<1x1x16xf32> to vector<16xf32>
        %get3A_270 = arith.index_cast %scan3A_120 : i32 to index
        %get3A_271 = arith.constant 0 : index
        %get3A_272 = tpu.vector_load %arg5[%get3A_270, %get3A_271] {strides = array<i32>} : memref<55x128xf32, #tpu.memory_space<vmem>>, vector<1x16xf32>,
        %get3A_273 = vector.shape_cast %get3A_272 : vector<1x16xf32> to vector<16xf32>
        %add3A_274 = arith.addf %get3A_269, %get3A_273 : vector<16xf32>
        %swap3A_275 = arith.constant 1 : i32
        %swap3A_276 = arith.index_cast %swap3A_275 : i32 to index
        %swap3A_277 = arith.index_cast %scan3A_120 : i32 to index
        %swap3A_278 = arith.constant 0 : index
        %swap3A_279 = tpu.vector_load %arg9[%swap3A_276, %swap3A_277, %swap3A_278] {strides = array<i32>} : memref<4x50x128xf32, #tpu.memory_space<vmem>>, vector<1x1x16xf32>,
        %swap3A_280 = vector.shape_cast %swap3A_279 : vector<1x1x16xf32> to vector<16xf32>
        %swap3A_281 = vector.shape_cast %add3A_274 : vector<16xf32> to vector<1x1x16xf32>
        tpu.vector_store %arg9[%swap3A_276, %swap3A_277, %swap3A_278], %swap3A_281 {strides = array<i32>} : memref<4x50x128xf32, #tpu.memory_space<vmem>>, vector<1x1x16xf32>,
        %get3A_282 = arith.constant 1 : i32
        %get3A_283 = arith.index_cast %get3A_282 : i32 to index
        %get3A_284 = arith.index_cast %scan3A_120 : i32 to index
        %get3A_285 = arith.constant 16 : index
        %get3A_286 = tpu.vector_load %arg7[%get3A_283, %get3A_284, %get3A_285] {strides = array<i32>} : memref<4x50x128xf32, #tpu.memory_space<vmem>>, vector<1x1x16xf32>,
        %get3A_287 = vector.shape_cast %get3A_286 : vector<1x1x16xf32> to vector<16xf32>
        %get3A_288 = arith.index_cast %scan3A_120 : i32 to index
        %get3A_289 = arith.constant 16 : index
        %get3A_290 = tpu.vector_load %arg5[%get3A_288, %get3A_289] {strides = array<i32>} : memref<55x128xf32, #tpu.memory_space<vmem>>, vector<1x16xf32>,
        %get3A_291 = vector.shape_cast %get3A_290 : vector<1x16xf32> to vector<16xf32>
        %add3A_292 = arith.addf %get3A_287, %get3A_291 : vector<16xf32>
        %swap3A_293 = arith.constant 1 : i32
        %swap3A_294 = arith.index_cast %swap3A_293 : i32 to index
        %swap3A_295 = arith.index_cast %scan3A_120 : i32 to index
        %swap3A_296 = arith.constant 16 : index
        %swap3A_297 = tpu.vector_load %arg9[%swap3A_294, %swap3A_295, %swap3A_296] {strides = array<i32>} : memref<4x50x128xf32, #tpu.memory_space<vmem>>, vector<1x1x16xf32>,
        %swap3A_298 = vector.shape_cast %swap3A_297 : vector<1x1x16xf32> to vector<16xf32>
        %swap3A_299 = vector.shape_cast %add3A_292 : vector<16xf32> to vector<1x1x16xf32>
        tpu.vector_store %arg9[%swap3A_294, %swap3A_295, %swap3A_296], %swap3A_299 {strides = array<i32>} : memref<4x50x128xf32, #tpu.memory_space<vmem>>, vector<1x1x16xf32>,
        %get3A_300 = arith.constant 1 : i32
        %get3A_301 = arith.index_cast %get3A_300 : i32 to index
        %get3A_302 = arith.index_cast %scan3A_120 : i32 to index
        %get3A_303 = arith.constant 32 : index
        %get3A_304 = tpu.vector_load %arg7[%get3A_301, %get3A_302, %get3A_303] {strides = array<i32>} : memref<4x50x128xf32, #tpu.memory_space<vmem>>, vector<1x1x16xf32>,
        %get3A_305 = vector.shape_cast %get3A_304 : vector<1x1x16xf32> to vector<16xf32>
        %get3A_306 = arith.index_cast %scan3A_120 : i32 to index
        %get3A_307 = arith.constant 32 : index
        %get3A_308 = tpu.vector_load %arg5[%get3A_306, %get3A_307] {strides = array<i32>} : memref<55x128xf32, #tpu.memory_space<vmem>>, vector<1x16xf32>,
        %get3A_309 = vector.shape_cast %get3A_308 : vector<1x16xf32> to vector<16xf32>
        %add3A_310 = arith.addf %get3A_305, %get3A_309 : vector<16xf32>
        %swap3A_311 = arith.constant 1 : i32
        %swap3A_312 = arith.index_cast %swap3A_311 : i32 to index
        %swap3A_313 = arith.index_cast %scan3A_120 : i32 to index
        %swap3A_314 = arith.constant 32 : index
        %swap3A_315 = tpu.vector_load %arg9[%swap3A_312, %swap3A_313, %swap3A_314] {strides = array<i32>} : memref<4x50x128xf32, #tpu.memory_space<vmem>>, vector<1x1x16xf32>,
        %swap3A_316 = vector.shape_cast %swap3A_315 : vector<1x1x16xf32> to vector<16xf32>
        %swap3A_317 = vector.shape_cast %add3A_310 : vector<16xf32> to vector<1x1x16xf32>
        tpu.vector_store %arg9[%swap3A_312, %swap3A_313, %swap3A_314], %swap3A_317 {strides = array<i32>} : memref<4x50x128xf32, #tpu.memory_space<vmem>>, vector<1x1x16xf32>,
        %get3A_318 = arith.constant 1 : i32
        %get3A_319 = arith.index_cast %get3A_318 : i32 to index
        %get3A_320 = arith.index_cast %scan3A_120 : i32 to index
        %get3A_321 = arith.constant 48 : index
        %get3A_322 = tpu.vector_load %arg7[%get3A_319, %get3A_320, %get3A_321] {strides = array<i32>} : memref<4x50x128xf32, #tpu.memory_space<vmem>>, vector<1x1x16xf32>,
        %get3A_323 = vector.shape_cast %get3A_322 : vector<1x1x16xf32> to vector<16xf32>
        %get3A_324 = arith.index_cast %scan3A_120 : i32 to index
        %get3A_325 = arith.constant 48 : index
        %get3A_326 = tpu.vector_load %arg5[%get3A_324, %get3A_325] {strides = array<i32>} : memref<55x128xf32, #tpu.memory_space<vmem>>, vector<1x16xf32>,
        %get3A_327 = vector.shape_cast %get3A_326 : vector<1x16xf32> to vector<16xf32>
        %add3A_328 = arith.addf %get3A_323, %get3A_327 : vector<16xf32>
        %swap3A_329 = arith.constant 1 : i32
        %swap3A_330 = arith.index_cast %swap3A_329 : i32 to index
        %swap3A_331 = arith.index_cast %scan3A_120 : i32 to index
        %swap3A_332 = arith.constant 48 : index
        %swap3A_333 = tpu.vector_load %arg9[%swap3A_330, %swap3A_331, %swap3A_332] {strides = array<i32>} : memref<4x50x128xf32, #tpu.memory_space<vmem>>, vector<1x1x16xf32>,
        %swap3A_334 = vector.shape_cast %swap3A_333 : vector<1x1x16xf32> to vector<16xf32>
        %swap3A_335 = vector.shape_cast %add3A_328 : vector<16xf32> to vector<1x1x16xf32>
        tpu.vector_store %arg9[%swap3A_330, %swap3A_331, %swap3A_332], %swap3A_335 {strides = array<i32>} : memref<4x50x128xf32, #tpu.memory_space<vmem>>, vector<1x1x16xf32>,
        %get3A_336 = arith.constant 1 : i32
        %get3A_337 = arith.index_cast %get3A_336 : i32 to index
        %get3A_338 = arith.index_cast %scan3A_120 : i32 to index
        %get3A_339 = arith.constant 64 : index
        %get3A_340 = tpu.vector_load %arg7[%get3A_337, %get3A_338, %get3A_339] {strides = array<i32>} : memref<4x50x128xf32, #tpu.memory_space<vmem>>, vector<1x1x16xf32>,
        %get3A_341 = vector.shape_cast %get3A_340 : vector<1x1x16xf32> to vector<16xf32>
        %get3A_342 = arith.index_cast %scan3A_120 : i32 to index
        %get3A_343 = arith.constant 64 : index
        %get3A_344 = tpu.vector_load %arg5[%get3A_342, %get3A_343] {strides = array<i32>} : memref<55x128xf32, #tpu.memory_space<vmem>>, vector<1x16xf32>,
        %get3A_345 = vector.shape_cast %get3A_344 : vector<1x16xf32> to vector<16xf32>
        %add3A_346 = arith.addf %get3A_341, %get3A_345 : vector<16xf32>
        %swap3A_347 = arith.constant 1 : i32
        %swap3A_348 = arith.index_cast %swap3A_347 : i32 to index
        %swap3A_349 = arith.index_cast %scan3A_120 : i32 to index
        %swap3A_350 = arith.constant 64 : index
        %swap3A_351 = tpu.vector_load %arg9[%swap3A_348, %swap3A_349, %swap3A_350] {strides = array<i32>} : memref<4x50x128xf32, #tpu.memory_space<vmem>>, vector<1x1x16xf32>,
        %swap3A_352 = vector.shape_cast %swap3A_351 : vector<1x1x16xf32> to vector<16xf32>
        %swap3A_353 = vector.shape_cast %add3A_346 : vector<16xf32> to vector<1x1x16xf32>
        tpu.vector_store %arg9[%swap3A_348, %swap3A_349, %swap3A_350], %swap3A_353 {strides = array<i32>} : memref<4x50x128xf32, #tpu.memory_space<vmem>>, vector<1x1x16xf32>,
        %get3A_354 = arith.constant 1 : i32
        %get3A_355 = arith.index_cast %get3A_354 : i32 to index
        %get3A_356 = arith.index_cast %scan3A_120 : i32 to index
        %get3A_357 = arith.constant 80 : index
        %get3A_358 = tpu.vector_load %arg7[%get3A_355, %get3A_356, %get3A_357] {strides = array<i32>} : memref<4x50x128xf32, #tpu.memory_space<vmem>>, vector<1x1x16xf32>,
        %get3A_359 = vector.shape_cast %get3A_358 : vector<1x1x16xf32> to vector<16xf32>
        %get3A_360 = arith.index_cast %scan3A_120 : i32 to index
        %get3A_361 = arith.constant 80 : index
        %get3A_362 = tpu.vector_load %arg5[%get3A_360, %get3A_361] {strides = array<i32>} : memref<55x128xf32, #tpu.memory_space<vmem>>, vector<1x16xf32>,
        %get3A_363 = vector.shape_cast %get3A_362 : vector<1x16xf32> to vector<16xf32>
        %add3A_364 = arith.addf %get3A_359, %get3A_363 : vector<16xf32>
        %swap3A_365 = arith.constant 1 : i32
        %swap3A_366 = arith.index_cast %swap3A_365 : i32 to index
        %swap3A_367 = arith.index_cast %scan3A_120 : i32 to index
        %swap3A_368 = arith.constant 80 : index
        %swap3A_369 = tpu.vector_load %arg9[%swap3A_366, %swap3A_367, %swap3A_368] {strides = array<i32>} : memref<4x50x128xf32, #tpu.memory_space<vmem>>, vector<1x1x16xf32>,
        %swap3A_370 = vector.shape_cast %swap3A_369 : vector<1x1x16xf32> to vector<16xf32>
        %swap3A_371 = vector.shape_cast %add3A_364 : vector<16xf32> to vector<1x1x16xf32>
        tpu.vector_store %arg9[%swap3A_366, %swap3A_367, %swap3A_368], %swap3A_371 {strides = array<i32>} : memref<4x50x128xf32, #tpu.memory_space<vmem>>, vector<1x1x16xf32>,
        %get3A_372 = arith.constant 1 : i32
        %get3A_373 = arith.index_cast %get3A_372 : i32 to index
        %get3A_374 = arith.index_cast %scan3A_120 : i32 to index
        %get3A_375 = arith.constant 96 : index
        %get3A_376 = tpu.vector_load %arg7[%get3A_373, %get3A_374, %get3A_375] {strides = array<i32>} : memref<4x50x128xf32, #tpu.memory_space<vmem>>, vector<1x1x16xf32>,
        %get3A_377 = vector.shape_cast %get3A_376 : vector<1x1x16xf32> to vector<16xf32>
        %get3A_378 = arith.index_cast %scan3A_120 : i32 to index
        %get3A_379 = arith.constant 96 : index
        %get3A_380 = tpu.vector_load %arg5[%get3A_378, %get3A_379] {strides = array<i32>} : memref<55x128xf32, #tpu.memory_space<vmem>>, vector<1x16xf32>,
        %get3A_381 = vector.shape_cast %get3A_380 : vector<1x16xf32> to vector<16xf32>
        %add3A_382 = arith.addf %get3A_377, %get3A_381 : vector<16xf32>
        %swap3A_383 = arith.constant 1 : i32
        %swap3A_384 = arith.index_cast %swap3A_383 : i32 to index
        %swap3A_385 = arith.index_cast %scan3A_120 : i32 to index
        %swap3A_386 = arith.constant 96 : index
        %swap3A_387 = tpu.vector_load %arg9[%swap3A_384, %swap3A_385, %swap3A_386] {strides = array<i32>} : memref<4x50x128xf32, #tpu.memory_space<vmem>>, vector<1x1x16xf32>,
        %swap3A_388 = vector.shape_cast %swap3A_387 : vector<1x1x16xf32> to vector<16xf32>
        %swap3A_389 = vector.shape_cast %add3A_382 : vector<16xf32> to vector<1x1x16xf32>
        tpu.vector_store %arg9[%swap3A_384, %swap3A_385, %swap3A_386], %swap3A_389 {strides = array<i32>} : memref<4x50x128xf32, #tpu.memory_space<vmem>>, vector<1x1x16xf32>,
        %get3A_390 = arith.constant 1 : i32
        %get3A_391 = arith.index_cast %get3A_390 : i32 to index
        %get3A_392 = arith.index_cast %scan3A_120 : i32 to index
        %get3A_393 = arith.constant 112 : index
        %get3A_394 = tpu.vector_load %arg7[%get3A_391, %get3A_392, %get3A_393] {strides = array<i32>} : memref<4x50x128xf32, #tpu.memory_space<vmem>>, vector<1x1x16xf32>,
        %get3A_395 = vector.shape_cast %get3A_394 : vector<1x1x16xf32> to vector<16xf32>
        %get3A_396 = arith.index_cast %scan3A_120 : i32 to index
        %get3A_397 = arith.constant 112 : index
        %get3A_398 = tpu.vector_load %arg5[%get3A_396, %get3A_397] {strides = array<i32>} : memref<55x128xf32, #tpu.memory_space<vmem>>, vector<1x16xf32>,
        %get3A_399 = vector.shape_cast %get3A_398 : vector<1x16xf32> to vector<16xf32>
        %add3A_400 = arith.addf %get3A_395, %get3A_399 : vector<16xf32>
        %swap3A_401 = arith.constant 1 : i32
        %swap3A_402 = arith.index_cast %swap3A_401 : i32 to index
        %swap3A_403 = arith.index_cast %scan3A_120 : i32 to index
        %swap3A_404 = arith.constant 112 : index
        %swap3A_405 = tpu.vector_load %arg9[%swap3A_402, %swap3A_403, %swap3A_404] {strides = array<i32>} : memref<4x50x128xf32, #tpu.memory_space<vmem>>, vector<1x1x16xf32>,
        %swap3A_406 = vector.shape_cast %swap3A_405 : vector<1x1x16xf32> to vector<16xf32>
        %swap3A_407 = vector.shape_cast %add3A_400 : vector<16xf32> to vector<1x1x16xf32>
        tpu.vector_store %arg9[%swap3A_402, %swap3A_403, %swap3A_404], %swap3A_407 {strides = array<i32>} : memref<4x50x128xf32, #tpu.memory_space<vmem>>, vector<1x1x16xf32>,
        %get3A_408 = arith.constant 2 : i32
        %get3A_409 = arith.index_cast %get3A_408 : i32 to index
        %get3A_410 = arith.index_cast %scan3A_120 : i32 to index
        %get3A_411 = arith.constant 0 : index
        %get3A_412 = tpu.vector_load %arg7[%get3A_409, %get3A_410, %get3A_411] {strides = array<i32>} : memref<4x50x128xf32, #tpu.memory_space<vmem>>, vector<1x1x16xf32>,
        %get3A_413 = vector.shape_cast %get3A_412 : vector<1x1x16xf32> to vector<16xf32>
        %get3A_414 = arith.index_cast %scan3A_120 : i32 to index
        %get3A_415 = arith.constant 0 : index
        %get3A_416 = tpu.vector_load %arg5[%get3A_414, %get3A_415] {strides = array<i32>} : memref<55x128xf32, #tpu.memory_space<vmem>>, vector<1x16xf32>,
        %get3A_417 = vector.shape_cast %get3A_416 : vector<1x16xf32> to vector<16xf32>
        %add3A_418 = arith.addf %get3A_413, %get3A_417 : vector<16xf32>
        %swap3A_419 = arith.constant 2 : i32
        %swap3A_420 = arith.index_cast %swap3A_419 : i32 to index
        %swap3A_421 = arith.index_cast %scan3A_120 : i32 to index
        %swap3A_422 = arith.constant 0 : index
        %swap3A_423 = tpu.vector_load %arg9[%swap3A_420, %swap3A_421, %swap3A_422] {strides = array<i32>} : memref<4x50x128xf32, #tpu.memory_space<vmem>>, vector<1x1x16xf32>,
        %swap3A_424 = vector.shape_cast %swap3A_423 : vector<1x1x16xf32> to vector<16xf32>
        %swap3A_425 = vector.shape_cast %add3A_418 : vector<16xf32> to vector<1x1x16xf32>
        tpu.vector_store %arg9[%swap3A_420, %swap3A_421, %swap3A_422], %swap3A_425 {strides = array<i32>} : memref<4x50x128xf32, #tpu.memory_space<vmem>>, vector<1x1x16xf32>,
        %get3A_426 = arith.constant 2 : i32
        %get3A_427 = arith.index_cast %get3A_426 : i32 to index
        %get3A_428 = arith.index_cast %scan3A_120 : i32 to index
        %get3A_429 = arith.constant 16 : index
        %get3A_430 = tpu.vector_load %arg7[%get3A_427, %get3A_428, %get3A_429] {strides = array<i32>} : memref<4x50x128xf32, #tpu.memory_space<vmem>>, vector<1x1x16xf32>,
        %get3A_431 = vector.shape_cast %get3A_430 : vector<1x1x16xf32> to vector<16xf32>
        %get3A_432 = arith.index_cast %scan3A_120 : i32 to index
        %get3A_433 = arith.constant 16 : index
        %get3A_434 = tpu.vector_load %arg5[%get3A_432, %get3A_433] {strides = array<i32>} : memref<55x128xf32, #tpu.memory_space<vmem>>, vector<1x16xf32>,
        %get3A_435 = vector.shape_cast %get3A_434 : vector<1x16xf32> to vector<16xf32>
        %add3A_436 = arith.addf %get3A_431, %get3A_435 : vector<16xf32>
        %swap3A_437 = arith.constant 2 : i32
        %swap3A_438 = arith.index_cast %swap3A_437 : i32 to index
        %swap3A_439 = arith.index_cast %scan3A_120 : i32 to index
        %swap3A_440 = arith.constant 16 : index
        %swap3A_441 = tpu.vector_load %arg9[%swap3A_438, %swap3A_439, %swap3A_440] {strides = array<i32>} : memref<4x50x128xf32, #tpu.memory_space<vmem>>, vector<1x1x16xf32>,
        %swap3A_442 = vector.shape_cast %swap3A_441 : vector<1x1x16xf32> to vector<16xf32>
        %swap3A_443 = vector.shape_cast %add3A_436 : vector<16xf32> to vector<1x1x16xf32>
        tpu.vector_store %arg9[%swap3A_438, %swap3A_439, %swap3A_440], %swap3A_443 {strides = array<i32>} : memref<4x50x128xf32, #tpu.memory_space<vmem>>, vector<1x1x16xf32>,
        %get3A_444 = arith.constant 2 : i32
        %get3A_445 = arith.index_cast %get3A_444 : i32 to index
        %get3A_446 = arith.index_cast %scan3A_120 : i32 to index
        %get3A_447 = arith.constant 32 : index
        %get3A_448 = tpu.vector_load %arg7[%get3A_445, %get3A_446, %get3A_447] {strides = array<i32>} : memref<4x50x128xf32, #tpu.memory_space<vmem>>, vector<1x1x16xf32>,
        %get3A_449 = vector.shape_cast %get3A_448 : vector<1x1x16xf32> to vector<16xf32>
        %get3A_450 = arith.index_cast %scan3A_120 : i32 to index
        %get3A_451 = arith.constant 32 : index
        %get3A_452 = tpu.vector_load %arg5[%get3A_450, %get3A_451] {strides = array<i32>} : memref<55x128xf32, #tpu.memory_space<vmem>>, vector<1x16xf32>,
        %get3A_453 = vector.shape_cast %get3A_452 : vector<1x16xf32> to vector<16xf32>
        %add3A_454 = arith.addf %get3A_449, %get3A_453 : vector<16xf32>
        %swap3A_455 = arith.constant 2 : i32
        %swap3A_456 = arith.index_cast %swap3A_455 : i32 to index
        %swap3A_457 = arith.index_cast %scan3A_120 : i32 to index
        %swap3A_458 = arith.constant 32 : index
        %swap3A_459 = tpu.vector_load %arg9[%swap3A_456, %swap3A_457, %swap3A_458] {strides = array<i32>} : memref<4x50x128xf32, #tpu.memory_space<vmem>>, vector<1x1x16xf32>,
        %swap3A_460 = vector.shape_cast %swap3A_459 : vector<1x1x16xf32> to vector<16xf32>
        %swap3A_461 = vector.shape_cast %add3A_454 : vector<16xf32> to vector<1x1x16xf32>
        tpu.vector_store %arg9[%swap3A_456, %swap3A_457, %swap3A_458], %swap3A_461 {strides = array<i32>} : memref<4x50x128xf32, #tpu.memory_space<vmem>>, vector<1x1x16xf32>,
        %get3A_462 = arith.constant 2 : i32
        %get3A_463 = arith.index_cast %get3A_462 : i32 to index
        %get3A_464 = arith.index_cast %scan3A_120 : i32 to index
        %get3A_465 = arith.constant 48 : index
        %get3A_466 = tpu.vector_load %arg7[%get3A_463, %get3A_464, %get3A_465] {strides = array<i32>} : memref<4x50x128xf32, #tpu.memory_space<vmem>>, vector<1x1x16xf32>,
        %get3A_467 = vector.shape_cast %get3A_466 : vector<1x1x16xf32> to vector<16xf32>
        %get3A_468 = arith.index_cast %scan3A_120 : i32 to index
        %get3A_469 = arith.constant 48 : index
        %get3A_470 = tpu.vector_load %arg5[%get3A_468, %get3A_469] {strides = array<i32>} : memref<55x128xf32, #tpu.memory_space<vmem>>, vector<1x16xf32>,
        %get3A_471 = vector.shape_cast %get3A_470 : vector<1x16xf32> to vector<16xf32>
        %add3A_472 = arith.addf %get3A_467, %get3A_471 : vector<16xf32>
        %swap3A_473 = arith.constant 2 : i32
        %swap3A_474 = arith.index_cast %swap3A_473 : i32 to index
        %swap3A_475 = arith.index_cast %scan3A_120 : i32 to index
        %swap3A_476 = arith.constant 48 : index
        %swap3A_477 = tpu.vector_load %arg9[%swap3A_474, %swap3A_475, %swap3A_476] {strides = array<i32>} : memref<4x50x128xf32, #tpu.memory_space<vmem>>, vector<1x1x16xf32>,
        %swap3A_478 = vector.shape_cast %swap3A_477 : vector<1x1x16xf32> to vector<16xf32>
        %swap3A_479 = vector.shape_cast %add3A_472 : vector<16xf32> to vector<1x1x16xf32>
        tpu.vector_store %arg9[%swap3A_474, %swap3A_475, %swap3A_476], %swap3A_479 {strides = array<i32>} : memref<4x50x128xf32, #tpu.memory_space<vmem>>, vector<1x1x16xf32>,
        %get3A_480 = arith.constant 2 : i32
        %get3A_481 = arith.index_cast %get3A_480 : i32 to index
        %get3A_482 = arith.index_cast %scan3A_120 : i32 to index
        %get3A_483 = arith.constant 64 : index
        %get3A_484 = tpu.vector_load %arg7[%get3A_481, %get3A_482, %get3A_483] {strides = array<i32>} : memref<4x50x128xf32, #tpu.memory_space<vmem>>, vector<1x1x16xf32>,
        %get3A_485 = vector.shape_cast %get3A_484 : vector<1x1x16xf32> to vector<16xf32>
        %get3A_486 = arith.index_cast %scan3A_120 : i32 to index
        %get3A_487 = arith.constant 64 : index
        %get3A_488 = tpu.vector_load %arg5[%get3A_486, %get3A_487] {strides = array<i32>} : memref<55x128xf32, #tpu.memory_space<vmem>>, vector<1x16xf32>,
        %get3A_489 = vector.shape_cast %get3A_488 : vector<1x16xf32> to vector<16xf32>
        %add3A_490 = arith.addf %get3A_485, %get3A_489 : vector<16xf32>
        %swap3A_491 = arith.constant 2 : i32
        %swap3A_492 = arith.index_cast %swap3A_491 : i32 to index
        %swap3A_493 = arith.index_cast %scan3A_120 : i32 to index
        %swap3A_494 = arith.constant 64 : index
        %swap3A_495 = tpu.vector_load %arg9[%swap3A_492, %swap3A_493, %swap3A_494] {strides = array<i32>} : memref<4x50x128xf32, #tpu.memory_space<vmem>>, vector<1x1x16xf32>,
        %swap3A_496 = vector.shape_cast %swap3A_495 : vector<1x1x16xf32> to vector<16xf32>
        %swap3A_497 = vector.shape_cast %add3A_490 : vector<16xf32> to vector<1x1x16xf32>
        tpu.vector_store %arg9[%swap3A_492, %swap3A_493, %swap3A_494], %swap3A_497 {strides = array<i32>} : memref<4x50x128xf32, #tpu.memory_space<vmem>>, vector<1x1x16xf32>,
        %get3A_498 = arith.constant 2 : i32
        %get3A_499 = arith.index_cast %get3A_498 : i32 to index
        %get3A_500 = arith.index_cast %scan3A_120 : i32 to index
        %get3A_501 = arith.constant 80 : index
        %get3A_502 = tpu.vector_load %arg7[%get3A_499, %get3A_500, %get3A_501] {strides = array<i32>} : memref<4x50x128xf32, #tpu.memory_space<vmem>>, vector<1x1x16xf32>,
        %get3A_503 = vector.shape_cast %get3A_502 : vector<1x1x16xf32> to vector<16xf32>
        %get3A_504 = arith.index_cast %scan3A_120 : i32 to index
        %get3A_505 = arith.constant 80 : index
        %get3A_506 = tpu.vector_load %arg5[%get3A_504, %get3A_505] {strides = array<i32>} : memref<55x128xf32, #tpu.memory_space<vmem>>, vector<1x16xf32>,
        %get3A_507 = vector.shape_cast %get3A_506 : vector<1x16xf32> to vector<16xf32>
        %add3A_508 = arith.addf %get3A_503, %get3A_507 : vector<16xf32>
        %swap3A_509 = arith.constant 2 : i32
        %swap3A_510 = arith.index_cast %swap3A_509 : i32 to index
        %swap3A_511 = arith.index_cast %scan3A_120 : i32 to index
        %swap3A_512 = arith.constant 80 : index
        %swap3A_513 = tpu.vector_load %arg9[%swap3A_510, %swap3A_511, %swap3A_512] {strides = array<i32>} : memref<4x50x128xf32, #tpu.memory_space<vmem>>, vector<1x1x16xf32>,
        %swap3A_514 = vector.shape_cast %swap3A_513 : vector<1x1x16xf32> to vector<16xf32>
        %swap3A_515 = vector.shape_cast %add3A_508 : vector<16xf32> to vector<1x1x16xf32>
        tpu.vector_store %arg9[%swap3A_510, %swap3A_511, %swap3A_512], %swap3A_515 {strides = array<i32>} : memref<4x50x128xf32, #tpu.memory_space<vmem>>, vector<1x1x16xf32>,
        %get3A_516 = arith.constant 2 : i32
        %get3A_517 = arith.index_cast %get3A_516 : i32 to index
        %get3A_518 = arith.index_cast %scan3A_120 : i32 to index
        %get3A_519 = arith.constant 96 : index
        %get3A_520 = tpu.vector_load %arg7[%get3A_517, %get3A_518, %get3A_519] {strides = array<i32>} : memref<4x50x128xf32, #tpu.memory_space<vmem>>, vector<1x1x16xf32>,
        %get3A_521 = vector.shape_cast %get3A_520 : vector<1x1x16xf32> to vector<16xf32>
        %get3A_522 = arith.index_cast %scan3A_120 : i32 to index
        %get3A_523 = arith.constant 96 : index
        %get3A_524 = tpu.vector_load %arg5[%get3A_522, %get3A_523] {strides = array<i32>} : memref<55x128xf32, #tpu.memory_space<vmem>>, vector<1x16xf32>,
        %get3A_525 = vector.shape_cast %get3A_524 : vector<1x16xf32> to vector<16xf32>
        %add3A_526 = arith.addf %get3A_521, %get3A_525 : vector<16xf32>
        %swap3A_527 = arith.constant 2 : i32
        %swap3A_528 = arith.index_cast %swap3A_527 : i32 to index
        %swap3A_529 = arith.index_cast %scan3A_120 : i32 to index
        %swap3A_530 = arith.constant 96 : index
        %swap3A_531 = tpu.vector_load %arg9[%swap3A_528, %swap3A_529, %swap3A_530] {strides = array<i32>} : memref<4x50x128xf32, #tpu.memory_space<vmem>>, vector<1x1x16xf32>,
        %swap3A_532 = vector.shape_cast %swap3A_531 : vector<1x1x16xf32> to vector<16xf32>
        %swap3A_533 = vector.shape_cast %add3A_526 : vector<16xf32> to vector<1x1x16xf32>
        tpu.vector_store %arg9[%swap3A_528, %swap3A_529, %swap3A_530], %swap3A_533 {strides = array<i32>} : memref<4x50x128xf32, #tpu.memory_space<vmem>>, vector<1x1x16xf32>,
        %get3A_534 = arith.constant 2 : i32
        %get3A_535 = arith.index_cast %get3A_534 : i32 to index
        %get3A_536 = arith.index_cast %scan3A_120 : i32 to index
        %get3A_537 = arith.constant 112 : index
        %get3A_538 = tpu.vector_load %arg7[%get3A_535, %get3A_536, %get3A_537] {strides = array<i32>} : memref<4x50x128xf32, #tpu.memory_space<vmem>>, vector<1x1x16xf32>,
        %get3A_539 = vector.shape_cast %get3A_538 : vector<1x1x16xf32> to vector<16xf32>
        %get3A_540 = arith.index_cast %scan3A_120 : i32 to index
        %get3A_541 = arith.constant 112 : index
        %get3A_542 = tpu.vector_load %arg5[%get3A_540, %get3A_541] {strides = array<i32>} : memref<55x128xf32, #tpu.memory_space<vmem>>, vector<1x16xf32>,
        %get3A_543 = vector.shape_cast %get3A_542 : vector<1x16xf32> to vector<16xf32>
        %add3A_544 = arith.addf %get3A_539, %get3A_543 : vector<16xf32>
        %swap3A_545 = arith.constant 2 : i32
        %swap3A_546 = arith.index_cast %swap3A_545 : i32 to index
        %swap3A_547 = arith.index_cast %scan3A_120 : i32 to index
        %swap3A_548 = arith.constant 112 : index
        %swap3A_549 = tpu.vector_load %arg9[%swap3A_546, %swap3A_547, %swap3A_548] {strides = array<i32>} : memref<4x50x128xf32, #tpu.memory_space<vmem>>, vector<1x1x16xf32>,
        %swap3A_550 = vector.shape_cast %swap3A_549 : vector<1x1x16xf32> to vector<16xf32>
        %swap3A_551 = vector.shape_cast %add3A_544 : vector<16xf32> to vector<1x1x16xf32>
        tpu.vector_store %arg9[%swap3A_546, %swap3A_547, %swap3A_548], %swap3A_551 {strides = array<i32>} : memref<4x50x128xf32, #tpu.memory_space<vmem>>, vector<1x1x16xf32>,
        %get3A_552 = arith.constant 3 : i32
        %get3A_553 = arith.index_cast %get3A_552 : i32 to index
        %get3A_554 = arith.index_cast %scan3A_120 : i32 to index
        %get3A_555 = arith.constant 0 : index
        %get3A_556 = tpu.vector_load %arg7[%get3A_553, %get3A_554, %get3A_555] {strides = array<i32>} : memref<4x50x128xf32, #tpu.memory_space<vmem>>, vector<1x1x16xf32>,
        %get3A_557 = vector.shape_cast %get3A_556 : vector<1x1x16xf32> to vector<16xf32>
        %get3A_558 = arith.index_cast %scan3A_120 : i32 to index
        %get3A_559 = arith.constant 0 : index
        %get3A_560 = tpu.vector_load %arg5[%get3A_558, %get3A_559] {strides = array<i32>} : memref<55x128xf32, #tpu.memory_space<vmem>>, vector<1x16xf32>,
        %get3A_561 = vector.shape_cast %get3A_560 : vector<1x16xf32> to vector<16xf32>
        %add3A_562 = arith.addf %get3A_557, %get3A_561 : vector<16xf32>
        %swap3A_563 = arith.constant 3 : i32
        %swap3A_564 = arith.index_cast %swap3A_563 : i32 to index
        %swap3A_565 = arith.index_cast %scan3A_120 : i32 to index
        %swap3A_566 = arith.constant 0 : index
        %swap3A_567 = tpu.vector_load %arg9[%swap3A_564, %swap3A_565, %swap3A_566] {strides = array<i32>} : memref<4x50x128xf32, #tpu.memory_space<vmem>>, vector<1x1x16xf32>,
        %swap3A_568 = vector.shape_cast %swap3A_567 : vector<1x1x16xf32> to vector<16xf32>
        %swap3A_569 = vector.shape_cast %add3A_562 : vector<16xf32> to vector<1x1x16xf32>
        tpu.vector_store %arg9[%swap3A_564, %swap3A_565, %swap3A_566], %swap3A_569 {strides = array<i32>} : memref<4x50x128xf32, #tpu.memory_space<vmem>>, vector<1x1x16xf32>,
        %get3A_570 = arith.constant 3 : i32
        %get3A_571 = arith.index_cast %get3A_570 : i32 to index
        %get3A_572 = arith.index_cast %scan3A_120 : i32 to index
        %get3A_573 = arith.constant 16 : index
        %get3A_574 = tpu.vector_load %arg7[%get3A_571, %get3A_572, %get3A_573] {strides = array<i32>} : memref<4x50x128xf32, #tpu.memory_space<vmem>>, vector<1x1x16xf32>,
        %get3A_575 = vector.shape_cast %get3A_574 : vector<1x1x16xf32> to vector<16xf32>
        %get3A_576 = arith.index_cast %scan3A_120 : i32 to index
        %get3A_577 = arith.constant 16 : index
        %get3A_578 = tpu.vector_load %arg5[%get3A_576, %get3A_577] {strides = array<i32>} : memref<55x128xf32, #tpu.memory_space<vmem>>, vector<1x16xf32>,
        %get3A_579 = vector.shape_cast %get3A_578 : vector<1x16xf32> to vector<16xf32>
        %add3A_580 = arith.addf %get3A_575, %get3A_579 : vector<16xf32>
        %swap3A_581 = arith.constant 3 : i32
        %swap3A_582 = arith.index_cast %swap3A_581 : i32 to index
        %swap3A_583 = arith.index_cast %scan3A_120 : i32 to index
        %swap3A_584 = arith.constant 16 : index
        %swap3A_585 = tpu.vector_load %arg9[%swap3A_582, %swap3A_583, %swap3A_584] {strides = array<i32>} : memref<4x50x128xf32, #tpu.memory_space<vmem>>, vector<1x1x16xf32>,
        %swap3A_586 = vector.shape_cast %swap3A_585 : vector<1x1x16xf32> to vector<16xf32>
        %swap3A_587 = vector.shape_cast %add3A_580 : vector<16xf32> to vector<1x1x16xf32>
        tpu.vector_store %arg9[%swap3A_582, %swap3A_583, %swap3A_584], %swap3A_587 {strides = array<i32>} : memref<4x50x128xf32, #tpu.memory_space<vmem>>, vector<1x1x16xf32>,
        %get3A_588 = arith.constant 3 : i32
        %get3A_589 = arith.index_cast %get3A_588 : i32 to index
        %get3A_590 = arith.index_cast %scan3A_120 : i32 to index
        %get3A_591 = arith.constant 32 : index
        %get3A_592 = tpu.vector_load %arg7[%get3A_589, %get3A_590, %get3A_591] {strides = array<i32>} : memref<4x50x128xf32, #tpu.memory_space<vmem>>, vector<1x1x16xf32>,
        %get3A_593 = vector.shape_cast %get3A_592 : vector<1x1x16xf32> to vector<16xf32>
        %get3A_594 = arith.index_cast %scan3A_120 : i32 to index
        %get3A_595 = arith.constant 32 : index
        %get3A_596 = tpu.vector_load %arg5[%get3A_594, %get3A_595] {strides = array<i32>} : memref<55x128xf32, #tpu.memory_space<vmem>>, vector<1x16xf32>,
        %get3A_597 = vector.shape_cast %get3A_596 : vector<1x16xf32> to vector<16xf32>
        %add3A_598 = arith.addf %get3A_593, %get3A_597 : vector<16xf32>
        %swap3A_599 = arith.constant 3 : i32
        %swap3A_600 = arith.index_cast %swap3A_599 : i32 to index
        %swap3A_601 = arith.index_cast %scan3A_120 : i32 to index
        %swap3A_602 = arith.constant 32 : index
        %swap3A_603 = tpu.vector_load %arg9[%swap3A_600, %swap3A_601, %swap3A_602] {strides = array<i32>} : memref<4x50x128xf32, #tpu.memory_space<vmem>>, vector<1x1x16xf32>,
        %swap3A_604 = vector.shape_cast %swap3A_603 : vector<1x1x16xf32> to vector<16xf32>
        %swap3A_605 = vector.shape_cast %add3A_598 : vector<16xf32> to vector<1x1x16xf32>
        tpu.vector_store %arg9[%swap3A_600, %swap3A_601, %swap3A_602], %swap3A_605 {strides = array<i32>} : memref<4x50x128xf32, #tpu.memory_space<vmem>>, vector<1x1x16xf32>,
        %get3A_606 = arith.constant 3 : i32
        %get3A_607 = arith.index_cast %get3A_606 : i32 to index
        %get3A_608 = arith.index_cast %scan3A_120 : i32 to index
        %get3A_609 = arith.constant 48 : index
        %get3A_610 = tpu.vector_load %arg7[%get3A_607, %get3A_608, %get3A_609] {strides = array<i32>} : memref<4x50x128xf32, #tpu.memory_space<vmem>>, vector<1x1x16xf32>,
        %get3A_611 = vector.shape_cast %get3A_610 : vector<1x1x16xf32> to vector<16xf32>
        %get3A_612 = arith.index_cast %scan3A_120 : i32 to index
        %get3A_613 = arith.constant 48 : index
        %get3A_614 = tpu.vector_load %arg5[%get3A_612, %get3A_613] {strides = array<i32>} : memref<55x128xf32, #tpu.memory_space<vmem>>, vector<1x16xf32>,
        %get3A_615 = vector.shape_cast %get3A_614 : vector<1x16xf32> to vector<16xf32>
        %add3A_616 = arith.addf %get3A_611, %get3A_615 : vector<16xf32>
        %swap3A_617 = arith.constant 3 : i32
        %swap3A_618 = arith.index_cast %swap3A_617 : i32 to index
        %swap3A_619 = arith.index_cast %scan3A_120 : i32 to index
        %swap3A_620 = arith.constant 48 : index
        %swap3A_621 = tpu.vector_load %arg9[%swap3A_618, %swap3A_619, %swap3A_620] {strides = array<i32>} : memref<4x50x128xf32, #tpu.memory_space<vmem>>, vector<1x1x16xf32>,
        %swap3A_622 = vector.shape_cast %swap3A_621 : vector<1x1x16xf32> to vector<16xf32>
        %swap3A_623 = vector.shape_cast %add3A_616 : vector<16xf32> to vector<1x1x16xf32>
        tpu.vector_store %arg9[%swap3A_618, %swap3A_619, %swap3A_620], %swap3A_623 {strides = array<i32>} : memref<4x50x128xf32, #tpu.memory_space<vmem>>, vector<1x1x16xf32>,
        %get3A_624 = arith.constant 3 : i32
        %get3A_625 = arith.index_cast %get3A_624 : i32 to index
        %get3A_626 = arith.index_cast %scan3A_120 : i32 to index
        %get3A_627 = arith.constant 64 : index
        %get3A_628 = tpu.vector_load %arg7[%get3A_625, %get3A_626, %get3A_627] {strides = array<i32>} : memref<4x50x128xf32, #tpu.memory_space<vmem>>, vector<1x1x16xf32>,
        %get3A_629 = vector.shape_cast %get3A_628 : vector<1x1x16xf32> to vector<16xf32>
        %get3A_630 = arith.index_cast %scan3A_120 : i32 to index
        %get3A_631 = arith.constant 64 : index
        %get3A_632 = tpu.vector_load %arg5[%get3A_630, %get3A_631] {strides = array<i32>} : memref<55x128xf32, #tpu.memory_space<vmem>>, vector<1x16xf32>,
        %get3A_633 = vector.shape_cast %get3A_632 : vector<1x16xf32> to vector<16xf32>
        %add3A_634 = arith.addf %get3A_629, %get3A_633 : vector<16xf32>
        %swap3A_635 = arith.constant 3 : i32
        %swap3A_636 = arith.index_cast %swap3A_635 : i32 to index
        %swap3A_637 = arith.index_cast %scan3A_120 : i32 to index
        %swap3A_638 = arith.constant 64 : index
        %swap3A_639 = tpu.vector_load %arg9[%swap3A_636, %swap3A_637, %swap3A_638] {strides = array<i32>} : memref<4x50x128xf32, #tpu.memory_space<vmem>>, vector<1x1x16xf32>,
        %swap3A_640 = vector.shape_cast %swap3A_639 : vector<1x1x16xf32> to vector<16xf32>
        %swap3A_641 = vector.shape_cast %add3A_634 : vector<16xf32> to vector<1x1x16xf32>
        tpu.vector_store %arg9[%swap3A_636, %swap3A_637, %swap3A_638], %swap3A_641 {strides = array<i32>} : memref<4x50x128xf32, #tpu.memory_space<vmem>>, vector<1x1x16xf32>,
        %get3A_642 = arith.constant 3 : i32
        %get3A_643 = arith.index_cast %get3A_642 : i32 to index
        %get3A_644 = arith.index_cast %scan3A_120 : i32 to index
        %get3A_645 = arith.constant 80 : index
        %get3A_646 = tpu.vector_load %arg7[%get3A_643, %get3A_644, %get3A_645] {strides = array<i32>} : memref<4x50x128xf32, #tpu.memory_space<vmem>>, vector<1x1x16xf32>,
        %get3A_647 = vector.shape_cast %get3A_646 : vector<1x1x16xf32> to vector<16xf32>
        %get3A_648 = arith.index_cast %scan3A_120 : i32 to index
        %get3A_649 = arith.constant 80 : index
        %get3A_650 = tpu.vector_load %arg5[%get3A_648, %get3A_649] {strides = array<i32>} : memref<55x128xf32, #tpu.memory_space<vmem>>, vector<1x16xf32>,
        %get3A_651 = vector.shape_cast %get3A_650 : vector<1x16xf32> to vector<16xf32>
        %add3A_652 = arith.addf %get3A_647, %get3A_651 : vector<16xf32>
        %swap3A_653 = arith.constant 3 : i32
        %swap3A_654 = arith.index_cast %swap3A_653 : i32 to index
        %swap3A_655 = arith.index_cast %scan3A_120 : i32 to index
        %swap3A_656 = arith.constant 80 : index
        %swap3A_657 = tpu.vector_load %arg9[%swap3A_654, %swap3A_655, %swap3A_656] {strides = array<i32>} : memref<4x50x128xf32, #tpu.memory_space<vmem>>, vector<1x1x16xf32>,
        %swap3A_658 = vector.shape_cast %swap3A_657 : vector<1x1x16xf32> to vector<16xf32>
        %swap3A_659 = vector.shape_cast %add3A_652 : vector<16xf32> to vector<1x1x16xf32>
        tpu.vector_store %arg9[%swap3A_654, %swap3A_655, %swap3A_656], %swap3A_659 {strides = array<i32>} : memref<4x50x128xf32, #tpu.memory_space<vmem>>, vector<1x1x16xf32>,
        %get3A_660 = arith.constant 3 : i32
        %get3A_661 = arith.index_cast %get3A_660 : i32 to index
        %get3A_662 = arith.index_cast %scan3A_120 : i32 to index
        %get3A_663 = arith.constant 96 : index
        %get3A_664 = tpu.vector_load %arg7[%get3A_661, %get3A_662, %get3A_663] {strides = array<i32>} : memref<4x50x128xf32, #tpu.memory_space<vmem>>, vector<1x1x16xf32>,
        %get3A_665 = vector.shape_cast %get3A_664 : vector<1x1x16xf32> to vector<16xf32>
        %get3A_666 = arith.index_cast %scan3A_120 : i32 to index
        %get3A_667 = arith.constant 96 : index
        %get3A_668 = tpu.vector_load %arg5[%get3A_666, %get3A_667] {strides = array<i32>} : memref<55x128xf32, #tpu.memory_space<vmem>>, vector<1x16xf32>,
        %get3A_669 = vector.shape_cast %get3A_668 : vector<1x16xf32> to vector<16xf32>
        %add3A_670 = arith.addf %get3A_665, %get3A_669 : vector<16xf32>
        %swap3A_671 = arith.constant 3 : i32
        %swap3A_672 = arith.index_cast %swap3A_671 : i32 to index
        %swap3A_673 = arith.index_cast %scan3A_120 : i32 to index
        %swap3A_674 = arith.constant 96 : index
        %swap3A_675 = tpu.vector_load %arg9[%swap3A_672, %swap3A_673, %swap3A_674] {strides = array<i32>} : memref<4x50x128xf32, #tpu.memory_space<vmem>>, vector<1x1x16xf32>,
        %swap3A_676 = vector.shape_cast %swap3A_675 : vector<1x1x16xf32> to vector<16xf32>
        %swap3A_677 = vector.shape_cast %add3A_670 : vector<16xf32> to vector<1x1x16xf32>
        tpu.vector_store %arg9[%swap3A_672, %swap3A_673, %swap3A_674], %swap3A_677 {strides = array<i32>} : memref<4x50x128xf32, #tpu.memory_space<vmem>>, vector<1x1x16xf32>,
        %get3A_678 = arith.constant 3 : i32
        %get3A_679 = arith.index_cast %get3A_678 : i32 to index
        %get3A_680 = arith.index_cast %scan3A_120 : i32 to index
        %get3A_681 = arith.constant 112 : index
        %get3A_682 = tpu.vector_load %arg7[%get3A_679, %get3A_680, %get3A_681] {strides = array<i32>} : memref<4x50x128xf32, #tpu.memory_space<vmem>>, vector<1x1x16xf32>,
        %get3A_683 = vector.shape_cast %get3A_682 : vector<1x1x16xf32> to vector<16xf32>
        %get3A_684 = arith.index_cast %scan3A_120 : i32 to index
        %get3A_685 = arith.constant 112 : index
        %get3A_686 = tpu.vector_load %arg5[%get3A_684, %get3A_685] {strides = array<i32>} : memref<55x128xf32, #tpu.memory_space<vmem>>, vector<1x16xf32>,
        %get3A_687 = vector.shape_cast %get3A_686 : vector<1x16xf32> to vector<16xf32>
        %add3A_688 = arith.addf %get3A_683, %get3A_687 : vector<16xf32>
        %swap3A_689 = arith.constant 3 : i32
        %swap3A_690 = arith.index_cast %swap3A_689 : i32 to index
        %swap3A_691 = arith.index_cast %scan3A_120 : i32 to index
        %swap3A_692 = arith.constant 112 : index
        %swap3A_693 = tpu.vector_load %arg9[%swap3A_690, %swap3A_691, %swap3A_692] {strides = array<i32>} : memref<4x50x128xf32, #tpu.memory_space<vmem>>, vector<1x1x16xf32>,
        %swap3A_694 = vector.shape_cast %swap3A_693 : vector<1x1x16xf32> to vector<16xf32>
        %swap3A_695 = vector.shape_cast %add3A_688 : vector<16xf32> to vector<1x1x16xf32>
        tpu.vector_store %arg9[%swap3A_690, %swap3A_691, %swap3A_692], %swap3A_695 {strides = array<i32>} : memref<4x50x128xf32, #tpu.memory_space<vmem>>, vector<1x1x16xf32>,
        %scan3A_696 = arith.constant 0 : i32
        scf.yield %scan3A_696 : i32
      }
      %scan3A_102 = arith.constant 50 : i32
      %mul3A_103 = arith.constant 4 : i32
      %mul3A_104 = arith.muli %add3A_81, %mul3A_103 : i32
      %add3A_105 = arith.addi %mul3A_2, %mul3A_104 : i32
      %dma_start3A_106 = arith.constant 0 : i32
      %dma_start3A_107 = arith.constant 0 : i32
      %dma_start3A_108 = tpu.memref_slice %arg4[%add3A_105, %dma_start3A_106, %dma_start3A_107] : memref<16384x50x128xf32, #tpu.memory_space<hbm>> -> memref<4x50x128xf32, #tpu.memory_space<hbm>>
      %dma_start3A_109 = arith.constant 0 : i32
      %dma_start3A_110 = arith.constant 0 : i32
      %dma_start3A_111 = tpu.memref_slice %arg4[%add3A_105, %dma_start3A_109, %dma_start3A_110] : memref<16384x50x128xf32, #tpu.memory_space<hbm>> -> memref<4x50x128xf32, #tpu.memory_space<hbm>>
      tpu.enqueue_dma source(%arg9 : memref<4x50x128xf32, #tpu.memory_space<vmem>>) target(%dma_start3A_111 : memref<4x50x128xf32, #tpu.memory_space<hbm>>) target_semaphore(%arg13 : memref<!tpu.dma_semaphore, #tpu.memory_space<semaphore_mem>>)
      %add3A_112 = arith.constant 2 : i32
      %add3A_113 = arith.addi %add3A_81, %add3A_112 : i32
      %lt3A_114 = arith.constant 128 : i32
      %lt3A_115 = arith.cmpi slt, %add3A_113, %lt3A_114 : i32
      %convert_element_type3A_116 = arith.extui %lt3A_115 : i1 to i32
      %cond3A_117 = arith.constant 0 : i32
      %cond3A_118 = arith.cmpi ne, %convert_element_type3A_116, %cond3A_117 : i32
      scf.if %cond3A_118 {
        %add3A_120 = arith.constant 2 : i32
        %add3A_121 = arith.addi %add3A_81, %add3A_120 : i32
        %mul3A_122 = arith.constant 4 : i32
        %mul3A_123 = arith.muli %add3A_121, %mul3A_122 : i32
        %add3A_124 = arith.addi %mul3A_2, %mul3A_123 : i32
        %dma_start3A_125 = arith.constant 0 : i32
        %dma_start3A_126 = arith.constant 0 : i32
        %dma_start3A_127 = tpu.memref_slice %arg2[%add3A_124, %dma_start3A_125, %dma_start3A_126] : memref<16384x50x128xf32, #tpu.memory_space<hbm>> -> memref<4x50x128xf32, #tpu.memory_space<hbm>>
        %dma_start3A_128 = arith.constant 0 : i32
        %dma_start3A_129 = arith.constant 0 : i32
        %dma_start3A_130 = tpu.memref_slice %arg2[%add3A_124, %dma_start3A_128, %dma_start3A_129] : memref<16384x50x128xf32, #tpu.memory_space<hbm>> -> memref<4x50x128xf32, #tpu.memory_space<hbm>>
        tpu.enqueue_dma source(%dma_start3A_130 : memref<4x50x128xf32, #tpu.memory_space<hbm>>) target(%arg7 : memref<4x50x128xf32, #tpu.memory_space<vmem>>) target_semaphore(%arg11 : memref<!tpu.dma_semaphore, #tpu.memory_space<semaphore_mem>>)
      } else {
      }
      %scan3A_119 = arith.constant 0 : i32
      scf.yield %scan3A_119 : i32
    }
    %scan3A_23 = arith.constant 64 : i32
    %add3A_24 = arith.constant 504 : i32
    %add3A_25 = arith.addi %mul3A_2, %add3A_24 : i32
    %dma_wait3A = arith.constant 0 : i32
    %dma_wait3A_26 = arith.constant 0 : i32
    %dma_wait3A_27 = tpu.memref_slice %arg4[%add3A_25, %dma_wait3A, %dma_wait3A_26] : memref<16384x50x128xf32, #tpu.memory_space<hbm>> -> memref<4x50x128xf32, #tpu.memory_space<hbm>>
    %dma_wait3A_28 = arith.constant 0 : i32
    %dma_wait3A_29 = arith.constant 0 : i32
    %dma_wait3A_30 = tpu.memref_slice %arg4[%add3A_25, %dma_wait3A_28, %dma_wait3A_29] : memref<16384x50x128xf32, #tpu.memory_space<hbm>> -> memref<4x50x128xf32, #tpu.memory_space<hbm>>
    tpu.wait_dma2 semaphore(%arg12 : memref<!tpu.dma_semaphore, #tpu.memory_space<semaphore_mem>>) src(%arg8 : memref<4x50x128xf32, #tpu.memory_space<vmem>>) dst(%dma_wait3A_30 : memref<4x50x128xf32, #tpu.memory_space<hbm>>)
    %add3A_31 = arith.constant 508 : i32
    %add3A_32 = arith.addi %mul3A_2, %add3A_31 : i32
    %dma_wait3A_33 = arith.constant 0 : i32
    %dma_wait3A_34 = arith.constant 0 : i32
    %dma_wait3A_35 = tpu.memref_slice %arg4[%add3A_32, %dma_wait3A_33, %dma_wait3A_34] : memref<16384x50x128xf32, #tpu.memory_space<hbm>> -> memref<4x50x128xf32, #tpu.memory_space<hbm>>
    %dma_wait3A_36 = arith.constant 0 : i32
    %dma_wait3A_37 = arith.constant 0 : i32
    %dma_wait3A_38 = tpu.memref_slice %arg4[%add3A_32, %dma_wait3A_36, %dma_wait3A_37] : memref<16384x50x128xf32, #tpu.memory_space<hbm>> -> memref<4x50x128xf32, #tpu.memory_space<hbm>>
    tpu.wait_dma2 semaphore(%arg13 : memref<!tpu.dma_semaphore, #tpu.memory_space<semaphore_mem>>) src(%arg9 : memref<4x50x128xf32, #tpu.memory_space<vmem>>) dst(%dma_wait3A_38 : memref<4x50x128xf32, #tpu.memory_space<hbm>>)
    return
  }
}

</mosaic_0001>

<sc_bundles>
// kernel: kernel.3.cloned.1.call-start
scs
__scs_entry_jumppad:
0x0: {  	(pc) =	sbr.rel $0x88, $3  }
0x1: {  	(tag) =	ssettag $0x0;
	lr =	simm.s32 $0x1  }
0x2: {  	[smem:$0x3F9F] =	sst lr;
	_ =	strace $0xD0000000  }
0x3: {  	_ = 	snop  }
0x4: {  	_ = 	snop  }
0x5: {  	_ = 	snop  }
0x6: {  	_ = 	snop  }
0x7: {  	_ = 	snop  }
__scs_overlays_trampoline_lowered:
0x8: {  	[smem:$0x3FAE] =	sst s0  }
0x9: {  	[smem:$0x3FAF] =	sst s1  }
0xa: {  	[smem:$0x3FB0] =	sst s2  }
0xb: {  	[smem:$0x3FB1] =	sst s3  }
0xc: {  	[smem:$0x3FB2] =	sst s4  }
0xd: {  	[smem:$0x3FB3] =	sst s5  }
0xe: {  	[smem:$0x3FB4] =	sst s6  }
0xf: {  	[smem:$0x3FB5] =	sst s7  }
0x10: {  	[smem:$0x3FB6] =	sst s8  }
0x11: {  	[smem:$0x3FB7] =	sst s9;
	s0 =	simm.s32 @!p0 $0x0  }
0x12: {  	s1 =	sld [smem:$0x3F9D];
	s0 =	simm.s32 @p0 $0x1  }
0x13: {  	[smem:$0x3FB8] =	sst s0;
	s0 =	simm.s32 @!p1 $0x0  }
0x14: {  	s2 =	sld [smem:$0x3F9C];
	s0 =	simm.s32 @p1 $0x1  }
0x15: {  	[smem:$0x3FB9] =	sst s0;
	s0 =	simm.s32 @!p2 $0x0  }
0x16: {  	s3 =	sld [smem:$0x3FDB];
	s0 =	simm.s32 @p2 $0x1  }
0x17: {  	s4 =	simm.s32 $0x1BF5;
	[smem:$0x3FBB] =	sst s0  }
0x18: {  	s0 =	sld [smem:$0x3F9E];
	_ =	swait.ge [sflag:s4], $0x0  }
0x19: {  	s7 =	sld [smem:$0x3F9F]  }
0x1a: {  	s8 =	sadd.s32 $0xFFFFE003, lr  }
0x1b: {  	s9 =	sadd.s32 $0xFFFFFEF7, lr;
	s5 =	simm.s32 $0xFFFFFFFF;
	p2 =	slt.u32 s8, $0xFFFFF086  }
0x1c: {  	p1 =	slt.u32 s9, $0xF7A;
	s5 =	simm.s32 @!p2 $0x0  }
0x1d: {  	s5 =	simm.s32 @p1 $0x1;
	p0 =	seq.s32 s7, s2  }
0x1e: {  	s7 =	smul.u32 @!p0 $0xF7A, s2;
	p2 =	seq.s32 @!p0 s5, $0x0  }
0x1f: {  	s9 =	smul.u32 $0xF7A, s1;
	s8 =	simm.s32 @!p0 $0x1BF5;
	p2 =	por !p2, p0  }
0x20: {  	[sflag:s8] =	ssyncset.s32 @!p0 $0xFFFFF086;
	s6 =	sadd.s32 @!p0 s3, s7;
	s7 =	simm.s32 @!p0 $0x108  }
0x21: {  	s3 =	sadd.s32 s3, s9;
	s6 =	sadd.s32 @!p0 $0x88, s6;
	s7 =	simm.s32 @p2 $0x1082  }
0x22: {  	[simem:s7], [sflag:s8] =	dma.local @!p0 [hbm:s6], $0xF7A  }
0x23: {  	s9 =	sor.u32 $0xD0000000, s2;
	s6 =	simm.s32 $0x108;
	_ =	swait.ge @!p0 [sflag:s8], $0x0  }
0x24: {  	s3 =	sadd.s32 $0x88, s3;
	s6 =	simm.s32 @!p1 $0x1082;
	[sflag:s4] =	ssyncset.s32 $0xFFFFF086  }
0x25: {  	[simem:s6], [sflag:s4] =	dma.local [hbm:s3], $0xF7A  }
0x26: {  	[smem:$0x3F9F] =	sst s1;
	(tag) =	ssettag s2;
	_ =	strace s9  }
0x27: {  	s1 =	sld [smem:$0x3FAF]  }
0x28: {  	s2 =	sld [smem:$0x3FB0]  }
0x29: {  	s4 =	sld [smem:$0x3FB2]  }
0x2a: {  	p0 =	seq.s32 s5, $0x0;
	s5 =	sld [smem:$0x3FB3]  }
0x2b: {  	s6 =	sld [smem:$0x3FB4]  }
0x2c: {  	s7 =	sld [smem:$0x3FB5]  }
0x2d: {  	s3 =	simm.s32 $0x108;
	s8 =	sld [smem:$0x3FB6]  }
0x2e: {  	s3 =	simm.s32 @!p0 $0x1082;
	s9 =	sld [smem:$0x3FB7]  }
0x2f: {  	lr =	sadd.s32 s0, s3;
	s0 =	sld [smem:$0x3FAE]  }
0x30: {  	s3 =	sld [smem:$0x3FB1]  }
0x31: {  	[smem:$0x3FBA] =	sst s10  }
0x32: {  	s10 =	sld [smem:$0x3FB8];
	_ =	sdelay $0x3  }
0x33: {  	p0 =	seq.s32 s10, $0x1;
	s10 =	sld [smem:$0x3FBA];
	_ =	sdelay $0x3  }
0x34: {  	[smem:$0x3FBA] =	sst s10  }
0x35: {  	s10 =	sld [smem:$0x3FB9];
	_ =	sdelay $0x3  }
0x36: {  	p1 =	seq.s32 s10, $0x1;
	s10 =	sld [smem:$0x3FBA];
	_ =	sdelay $0x3  }
0x37: {  	[smem:$0x3FBA] =	sst s10  }
0x38: {  	s10 =	sld [smem:$0x3FBB]  }
0x39: {  	_ = 	snop;
	(pc) =	sbr.ind lr, $3  }
0x3a: {  	_ = 	snop  }
0x3b: {  	_ = 	snop  }
0x3c: {  	p2 =	seq.s32 s10, $0x1;
	s10 =	sld [smem:$0x3FBA]  }
0x3d: {  	_ =	shalt  }
0x3e: {  	_ =	shalt  }
0x3f: {  	_ =	shalt  }
0x40: {  	_ =	shalt  }
0x41: {  	_ =	shalt  }
0x42: {  	_ =	shalt  }
0x43: {  	_ =	shalt  }
0x44: {  	_ =	shalt  }
0x45: {  	_ =	shalt  }
0x46: {  	_ =	shalt  }
0x47: {  	_ =	shalt  }
0x48: {  	_ =	shalt  }
0x49: {  	_ =	shalt  }
0x4a: {  	_ =	shalt  }
0x4b: {  	_ =	shalt  }
0x4c: {  	_ =	shalt  }
0x4d: {  	_ =	shalt  }
0x4e: {  	_ =	shalt  }
0x4f: {  	_ =	shalt  }
0x50: {  	_ =	shalt  }
0x51: {  	_ =	shalt  }
0x52: {  	_ =	shalt  }
0x53: {  	_ =	shalt  }
0x54: {  	_ =	shalt  }
0x55: {  	_ =	shalt  }
0x56: {  	_ =	shalt  }
0x57: {  	_ =	shalt  }
0x58: {  	_ =	shalt  }
0x59: {  	_ =	shalt  }
0x5a: {  	_ =	shalt  }
0x5b: {  	_ =	shalt  }
0x5c: {  	_ =	shalt  }
0x5d: {  	_ =	shalt  }
0x5e: {  	_ =	shalt  }
0x5f: {  	_ =	shalt  }
0x60: {  	_ =	shalt  }
0x61: {  	_ =	shalt  }
0x62: {  	_ =	shalt  }
0x63: {  	_ =	shalt  }
0x64: {  	_ =	shalt  }
0x65: {  	_ =	shalt  }
0x66: {  	_ =	shalt  }
0x67: {  	_ =	shalt  }
0x68: {  	_ =	shalt  }
0x69: {  	_ =	shalt  }
0x6a: {  	_ =	shalt  }
0x6b: {  	_ =	shalt  }
0x6c: {  	_ =	shalt  }
0x6d: {  	_ =	shalt  }
0x6e: {  	_ =	shalt  }
0x6f: {  	_ =	shalt  }
0x70: {  	_ =	shalt  }
0x71: {  	_ =	shalt  }
0x72: {  	_ =	shalt  }
0x73: {  	_ =	shalt  }
0x74: {  	_ =	shalt  }
0x75: {  	_ =	shalt  }
0x76: {  	_ =	shalt  }
0x77: {  	_ =	shalt  }
0x78: {  	_ =	shalt  }
0x79: {  	_ =	shalt  }
0x7a: {  	_ =	shalt  }
0x7b: {  	_ =	shalt  }
0x7c: {  	_ =	shalt  }
0x7d: {  	_ =	shalt  }
0x7e: {  	_ =	shalt  }
0x7f: {  	_ =	shalt  }
0x80: {  	_ =	shalt  }
0x81: {  	_ =	shalt  }
0x82: {  	_ =	shalt  }
0x83: {  	_ =	shalt  }
0x84: {  	_ =	shalt  }
0x85: {  	_ =	shalt  }
0x86: {  	_ =	shalt  }
0x87: {  	_ =	shalt  }
.Lfunc_end0:
.L_simem_size_0:
called_computation_lowered:
.L_overlay_start_0:
0x88: {  	s2 =	sld [smem:$0x3FD9]  }
0x89: {  	s3 =	sld [smem:$0x3FFE];
	_ =	sdelay $0x1  }
0x8a: {  	s1 =	srdreg.scid  }
0x8b: {  	s0 =	sand.u32 $0x1, s1  }
0x8c: {  	s17 =	sshll.u32 s0, $0xA;
	s2 =	sadd.s32 s3, s2  }
0x8d: {  	s2 =	sadd.s32 s2, s17  }
0x8e: {  	[smem:$0x3FC6] =	sst s2  }
0x8f: {  	_ = 	snop  }
0x90: {  	s2 =	sld [smem:$0x3FC8];
	(tm) =	ssettm $0x1  }
0x91: {  	s18 =	sld [smem:$0x3FFB];
	_ =	sdelay $0x3  }
0x92: {  	_ =	strace s18  }
0x93: {  	s3 =	sld [smem:$0x3FFC];
	_ =	sdelay $0x3  }
0x94: {  	_ =	strace s3  }
0x95: {  	s3 =	sld [smem:$0x3FFD];
	_ =	sdelay $0x3  }
0x96: {  	_ =	strace s3  }
0x97: {  	_ =	strace $0x8FFFFFFF  }
0x98: {  	s19 =	sld [smem:$0x3FDB];
	_ =	sdelay $0x1  }
0x99: {  	s4 =	simm.s32 $_scs_section_size  }
0x9a: {  	s5 =	simm.s32 $_size__tile_overlayer_lowered;
	s6 =	simm.s32 $_tile_overlayer_lowered  }
0x9b: {  	s22 =	simm.s32 $0x1BFF;
	s21 =	sshll.u32 s6, $0x1;
	s3 =	sadd.s32 s4, s19  }
0x9c: {  	s7 =	simm.s32 $0x0;
	s20 =	sshll.u32 s5, $0x1;
	s5 =	sadd.s32 s21, s3  }
0x9d: {  	[timem:s7], [sflag:s22] =	dma.local [hbm:s5], s20  }
0x9e: {  	_ =	swait.ge [sflag:s22], s20  }
0x9f: {  	s4 =	ssub.s32 $0x0, s20;
	[sflag:s22] =	ssyncset.done $0x0  }
0xa0: {  	[sflag:s22] =	ssyncadd.s32 s4;
	_ =	sdelay $0x1  }
0xa1: {  	s23 =	simm.s32 $0x1B8B  }
0xa2: {  	_ =	swait.ge [sflag:s23], $0x1  }
0xa3: {  	[sflag:s23] =	ssyncset.done $0x0  }
0xa4: {  	s25 =	simm.s32 $0x1B8E;
	s24 =	sld [smem:$0x3FFE];
	[sflag:s23] =	ssyncadd.s32 $0xFFFFFFFF  }
0xa5: {  	s26 =	simm.s32 $execute0_lowered;
	[smem:$0x3FD2] =	sst s25  }
0xa6: {  	s5 =	sshll.u32 s26, $0x1;
	_ =	strace $0x80000046;
	[dreg:$0x1] =	wrdreg $0xFFFFFFFF  }
0xa7: {  	s28 =	simm.s32 $_size_execute0_lowered;
	s3 =	sadd.s32 s3, s5;
	[dreg:$0x0] =	wrdreg $0x0  }
0xa8: {  	s5 =	sshll.u32 s28, $0x1;
	[dreg:$0x2] =	wrdreg s3  }
0xa9: {  	[dreg:$0x3] =	wrdreg s5  }
0xaa: {  	[dreg:$0x4] =	wrdreg $0xC0  }
0xab: {  	_ =	task [dreg:s7], $0x5FFFF  }
0xac: {  	[dreg:$0x1] =	wrdreg $0xFFFFFFFF  }
0xad: {  	[dreg:$0x0] =	wrdreg $0x60  }
0xae: {  	[dreg:$0x2] =	wrdreg s24  }
0xaf: {  	[dreg:$0x3] =	wrdreg s2  }
0xb0: {  	[dreg:$0x4] =	wrdreg $0x9  }
0xb1: {  	_ =	task.clear_ibuf [dreg:s7], $0x5FFFF;
	_ =	strace $0x90000046  }
0xb2: {  	s29 =	simm.s32 $0x9;
	_ =	strace $0x80000048  }
0xb3: {  	_ =	swait.ge [sflag:s29], $0x1  }
0xb4: {  	[sflag:s29] =	ssyncadd.s32 $0xFFFFFFFF  }
0xb5: {  	_ =	strace $0x90000048  }
0xb6: {  	_ =	sfence  }
0xb7: {  	s30 =	sld [smem:$0x0];
	_ =	sdelay $0x2  }
0xb8: {  	s31 =	sshll.u32 s1, $0xD;
	s1 =	sshrl.u32 s1, $0x2  }
0xb9: {  	s3 =	sand.u32 $0x4000, s31;
	s1 =	sadd.s32 s1, s30  }
0xba: {  	s0 =	sor.u32 s3, s0;
	s1 =	sshll.u32 s1, $0x11  }
0xbb: {  	s0 =	sor.u32 s1, s0  }
0xbc: {  	s0 =	sadd.s32 $0x8F2B, s0  }
0xbd: {  	[sflag:s0] =	ssyncadd.remote.s32 $0x1  }
0xbe: {  	_ =	sfence.sel $0xFFFF  }
0xbf: {  	[dreg:$0x0] =	wrdreg $0xFFFFFFFF;
	(pc) =	sbr.abs _section_cstart, $3  }
0xc0: {  	[dreg:$0x1] =	wrdreg $0xFFFFFFFF  }
0xc1: {  	_ =	task.clear_ibuf [dreg:s7], $0x2FFFF;
	_ =	strace $0x9FFFFFFF  }
0xc2: {  	(tm) =	ssettm $0x7FFFFFFF  }
0xc3: {  	_ =	shalt  }
tec
execute0_lowered:
.L_overlay_start_1:
0x0: {  	(tag) =	ssettag $0x1  }
0x1: {  	s0 =	srdreg.scid  }
0x2: {  	s1 =	rddreg [dreg:$0x0];
	s2 =	stileid.u32  }
0x3: {  	s3 =	simm.s32 $0x0;
	s12 =	simm.s32 $0x5;
	s20 =	simm.s32 $0x8C00  }
0x4: {  	s28 =	simm.s32 $0x1;
	s29 =	simm.s32 $0xFC00;
	s30 =	simm.s32 $0x11800  }
0x5: {  	s31 =	simm.s32 $0x13400;
	s13 =	simm.s32 $0x18800;
	s15 =	simm.s32 $0x1A400  }
0x6: {  	s17 =	simm.s32 $0x1C000;
	s11 =	simm.s32 $0x4;
	s0 =	sand.u32 $0x1, s0  }
0x7: {  	s14 =	simm.s32 $0x0;
	s2 =	sshll.u32 s2, $0xA;
	s4 =	sshll.u32 s0, $0x9  }
0x8: {  	[smem:$0x7FF] =	sst s3;
	s0 =	ssub.s32 $0x2, s0;
	s4 =	sor.u32 s4, s2  }
0x9: {  	s5 =	sadd.s32 $0x400, s1;
	s18 =	sshrl.u32 s0, $0x1;
	s2 =	smul.u32 $0x380, s4  }
0xa: {  	s6 =	sadd.s32 $0xE00400, s1;
	s1 =	simm.s32 $0x15000;
	s0 =	ssub.s32 s0, s18  }
0xb: {  	_ =	strace $0x80000047;
	s0 =	smax.u32 s0, $0x1;
	s7 =	sadd.s32 s5, s2  }
0xc: {  	s9 =	sor.u32 $0x8, s4;
	[dreg:$0x4] =	wrdreg s0;
	s21 =	sadd.s32 $0x380, s7  }
0xd: {  	s10 =	sor.u32 $0xC, s4;
	s22 =	sadd.s32 $0x700, s7;
	[dreg:$0x5] =	wrdreg s21  }
0xe: {  	s0 =	simm.s32 $0x2;
	s23 =	sadd.s32 $0xA80, s7;
	[dreg:$0x6] =	wrdreg s22  }
.Ltmp0:
0xf: {  	s19 =	sadd.s32 $0xE00, s7;
	[dreg:$0x7] =	wrdreg s23;
	(pc) =	sbr.rel .LBB2_1-.Ltmp0, $4  }
0x10: {  	s2 =	simm.s32 $0x16C00;
	s24 =	sadd.s32 $0x380, s19;
	[dreg:$0x3] =	wrdreg s19  }
0x11: {  	s22 =	simm.s32 $0xA800;
	s25 =	sadd.s32 $0x700, s19;
	[dreg:$0x8] =	wrdreg s24  }
0x12: {  	s26 =	sadd.s32 $0xA80, s19;
	s19 =	simm.s32 $0x3;
	[dreg:$0x9] =	wrdreg s25  }
0x13: {  	s24 =	simm.s32 $0xC400;
	[dreg:$0xa] =	wrdreg s26;
	s26 =	simm.s32 $0xE000  }
.LBB2_8:
0x14: {  	_ =	swait.ge [sflag:s19], $0x6400  }
0x15: {  	[sflag:s19] =	ssyncset.done $0x0  }
0x16: {  	[sflag:s19] =	ssyncadd.s32 $0xFFFF9C00  }
0x17: {  	_ =	swait.ge [sflag:s11], $0x6400  }
0x18: {  	s14 =	sadd.s32 $0x1, s14;
	s8 =	rddreg [dreg:$0x4]  }
0x19: {  	p0 =	sne.s32 s14, s8  }
.Ltmp1:
0x1a: {  	_ = 	snop;
	(pc) =	sbr.rel @!p0 .LBB2_9-.Ltmp1, $3  }
0x1b: {  	_ =	sdelay $0x1  }
0x1c: {  	[sflag:s11] =	ssyncset.done $0x0  }
0x1d: {  	[sflag:s11] =	ssyncadd.s32 $0xFFFF9C00  }
.LBB2_1:
0x1e: {  	s8 =	rddreg [dreg:$0x1]  }
0x1f: {  	[tilespmem:s3], [sflag:$0x5] =	stream.linear.gather [hbm4b:s8+s3], $0x1B80, $0x38;
	[tilespmem:$0x1DC00] =	vst v63  }
0x20: {  	_ =	swait.ge [sflag:s12], $0x1B80  }
0x21: {  	[sflag:s12] =	ssyncset.done $0x0  }
0x22: {  	s23 =	simm.s32 $0x1C00;
	[sflag:s12] =	ssyncadd.s32 $0xFFFFE480  }
0x23: {  	[tilespmem:s23], [sflag:$0x1] =	stream.linear.gather [hbm4b:s7+s3], $0x1900, $0x38;
	[tilespmem:$0x1DC00] =	vst v63  }
0x24: {  	s16 =	simm.s32 $0x3800;
	s25 =	rddreg [dreg:$0x5]  }
0x25: {  	[tilespmem:s16], [sflag:$0x1] =	stream.linear.gather [hbm4b:s25+s3], $0x1900, $0x38;
	[tilespmem:$0x1DC00] =	vst v63  }
0x26: {  	s21 =	simm.s32 $0x5400;
	s18 =	rddreg [dreg:$0x6]  }
0x27: {  	[tilespmem:s21], [sflag:$0x1] =	stream.linear.gather [hbm4b:s18+s3], $0x1900, $0x38;
	[tilespmem:$0x1DC00] =	vst v63  }
0x28: {  	s23 =	rddreg [dreg:$0x7];
	s25 =	simm.s32 $0x7000  }
0x29: {  	[tilespmem:s25], [sflag:$0x1] =	stream.linear.gather [hbm4b:s23+s3], $0x1900, $0x38;
	[tilespmem:$0x1DC00] =	vst v63  }
0x2a: {  	s18 =	rddreg [dreg:$0x3]  }
0x2b: {  	[tilespmem:s20], [sflag:$0x2] =	stream.linear.gather [hbm4b:s18+s3], $0x1900, $0x38;
	[tilespmem:$0x1DC00] =	vst v63  }
0x2c: {  	s21 =	rddreg [dreg:$0x8]  }
0x2d: {  	[tilespmem:s22], [sflag:$0x2] =	stream.linear.gather [hbm4b:s21+s3], $0x1900, $0x38;
	[tilespmem:$0x1DC00] =	vst v63  }
0x2e: {  	s23 =	rddreg [dreg:$0x9]  }
0x2f: {  	[tilespmem:s24], [sflag:$0x2] =	stream.linear.gather [hbm4b:s23+s3], $0x1900, $0x38;
	[tilespmem:$0x1DC00] =	vst v63  }
0x30: {  	s16 =	simm.s32 $0x0;
	s25 =	rddreg [dreg:$0xa]  }
0x31: {  	[tilespmem:s26], [sflag:$0x2] =	stream.linear.gather [hbm4b:s25+s3], $0x1900, $0x38;
	[tilespmem:$0x1DC00] =	vst v63  }
.LBB2_2:
0x32: {  	_ =	swait.ge [sflag:s28], $0x6400  }
0x33: {  	p0 =	seq.s32 s16, $0x0;
	[sflag:s28] =	ssyncset.done $0x0  }
0x34: {  	s8 =	simm.s32 @!p0 $0x3;
	[sflag:s28] =	ssyncadd.s32 $0xFFFF9C00  }
0x35: {  	_ =	swait.ge @!p0 [sflag:s8], $0x6400  }
0x36: {  	[sflag:s8] =	ssyncset.done @!p0 $0x0  }
0x37: {  	s21 =	simm.s32 $0x0;
	[sflag:s8] =	ssyncadd.s32 @!p0 $0xFFFF9C00  }
0x38: {  	v0 =	vld [tilespmem:s21+$0x7070]  }
0x39: {  	v1 =	vld [tilespmem:s21+$0x70]  }
0x3a: {  	v2 =	vld [tilespmem:s21+$0x1C00]  }
0x3b: {  	v3 =	vld [tilespmem:s21+$0x0]  }
0x3c: {  	v4 =	vld [tilespmem:s21+$0x1C10]  }
0x3d: {  	v5 =	vld [tilespmem:s21+$0x10]  }
0x3e: {  	v6 =	vld [tilespmem:s21+$0x1C20]  }
0x3f: {  	v7 =	vld [tilespmem:s21+$0x1C30]  }
0x40: {  	v0 =	vadd.f32 v1, v0;
	v1 =	vld [tilespmem:s21+$0x20]  }
0x41: {  	v2 =	vadd.f32 v3, v2;
	v3 =	vld [tilespmem:s21+$0x1C40]  }
0x42: {  	[tilespmem:s21+$0x15070] =	vst v0;
	v0 =	vld [tilespmem:s21+$0x30]  }
0x43: {  	[tilespmem:s21+$0xFC00] =	vst v2;
	v2 =	vadd.f32 v5, v4;
	v4 =	vld [tilespmem:s21+$0x40]  }
0x44: {  	v5 =	vld [tilespmem:s21+$0x50]  }
0x45: {  	[tilespmem:s21+$0xFC10] =	vst v2;
	v2 =	vld [tilespmem:s21+$0x1C50];
	v1 =	vadd.f32 v1, v6  }
0x46: {  	v6 =	vld [tilespmem:s21+$0x60]  }
0x47: {  	[tilespmem:s21+$0xFC20] =	vst v1;
	v0 =	vadd.f32 v0, v7;
	v1 =	vld [tilespmem:s21+$0x1C60]  }
0x48: {  	v7 =	vld [tilespmem:s21+$0x30]  }
0x49: {  	[tilespmem:s21+$0xFC30] =	vst v0;
	v0 =	vadd.f32 v4, v3;
	v3 =	vld [tilespmem:s21+$0x1C70]  }
0x4a: {  	v4 =	vld [tilespmem:s21+$0x70]  }
0x4b: {  	[tilespmem:s21+$0xFC40] =	vst v0;
	v0 =	vadd.f32 v5, v2;
	v2 =	vld [tilespmem:s21+$0x3800]  }
0x4c: {  	v5 =	vld [tilespmem:s21+$0x0]  }
0x4d: {  	[tilespmem:s21+$0xFC50] =	vst v0;
	v0 =	vadd.f32 v6, v1;
	v1 =	vld [tilespmem:s21+$0x3810]  }
0x4e: {  	v6 =	vld [tilespmem:s21+$0x10]  }
0x4f: {  	[tilespmem:s21+$0xFC60] =	vst v0;
	v0 =	vadd.f32 v4, v3;
	v3 =	vld [tilespmem:s21+$0x3820]  }
0x50: {  	v4 =	vld [tilespmem:s21+$0x20]  }
0x51: {  	[tilespmem:s21+$0xFC70] =	vst v0;
	v0 =	vadd.f32 v5, v2;
	v2 =	vld [tilespmem:s21+$0x3830]  }
0x52: {  	v5 =	vld [tilespmem:s21+$0x30]  }
0x53: {  	[tilespmem:s21+$0x11800] =	vst v0;
	v0 =	vadd.f32 v6, v1;
	v1 =	vld [tilespmem:s21+$0x3840]  }
0x54: {  	v6 =	vld [tilespmem:s21+$0x40]  }
0x55: {  	[tilespmem:s21+$0x11810] =	vst v0;
	v0 =	vadd.f32 v4, v3;
	v3 =	vld [tilespmem:s21+$0x3850]  }
0x56: {  	v4 =	vld [tilespmem:s21+$0x50]  }
0x57: {  	[tilespmem:s21+$0x11820] =	vst v0;
	v0 =	vadd.f32 v5, v2;
	v2 =	vld [tilespmem:s21+$0x3860]  }
0x58: {  	v5 =	vld [tilespmem:s21+$0x60]  }
0x59: {  	[tilespmem:s21+$0x11830] =	vst v0;
	v0 =	vadd.f32 v6, v1;
	v1 =	vld [tilespmem:s21+$0x3870]  }
0x5a: {  	v6 =	vld [tilespmem:s21+$0x70]  }
0x5b: {  	[tilespmem:s21+$0x11840] =	vst v0;
	v0 =	vadd.f32 v4, v3;
	v3 =	vld [tilespmem:s21+$0x5400]  }
0x5c: {  	v4 =	vld [tilespmem:s21+$0x0]  }
0x5d: {  	[tilespmem:s21+$0x11850] =	vst v0;
	v0 =	vadd.f32 v5, v2;
	v2 =	vld [tilespmem:s21+$0x5410]  }
0x5e: {  	v5 =	vld [tilespmem:s21+$0x10]  }
0x5f: {  	[tilespmem:s21+$0x11860] =	vst v0;
	v0 =	vadd.f32 v6, v1;
	v1 =	vld [tilespmem:s21+$0x5420]  }
0x60: {  	v6 =	vld [tilespmem:s21+$0x20]  }
0x61: {  	[tilespmem:s21+$0x11870] =	vst v0;
	v0 =	vadd.f32 v4, v3;
	v3 =	vld [tilespmem:s21+$0x5430]  }
0x62: {  	v4 =	vld [tilespmem:s21+$0x30]  }
0x63: {  	[tilespmem:s21+$0x13400] =	vst v0;
	v0 =	vadd.f32 v5, v2;
	v2 =	vld [tilespmem:s21+$0x5440]  }
0x64: {  	v5 =	vld [tilespmem:s21+$0x40]  }
0x65: {  	[tilespmem:s21+$0x13410] =	vst v0;
	v0 =	vadd.f32 v6, v1;
	v1 =	vld [tilespmem:s21+$0x5450]  }
0x66: {  	v6 =	vld [tilespmem:s21+$0x50]  }
0x67: {  	[tilespmem:s21+$0x13420] =	vst v0;
	v0 =	vadd.f32 v4, v3;
	v3 =	vld [tilespmem:s21+$0x5460]  }
0x68: {  	v4 =	vld [tilespmem:s21+$0x60]  }
0x69: {  	[tilespmem:s21+$0x13430] =	vst v0;
	v0 =	vadd.f32 v5, v2;
	v2 =	vld [tilespmem:s21+$0x5470]  }
0x6a: {  	v5 =	vld [tilespmem:s21+$0x70]  }
0x6b: {  	[tilespmem:s21+$0x13440] =	vst v0;
	v0 =	vadd.f32 v6, v1;
	v1 =	vld [tilespmem:s21+$0x7000]  }
0x6c: {  	v6 =	vld [tilespmem:s21+$0x0]  }
0x6d: {  	[tilespmem:s21+$0x13450] =	vst v0;
	v0 =	vadd.f32 v4, v3;
	v3 =	vld [tilespmem:s21+$0x7010]  }
0x6e: {  	v4 =	vld [tilespmem:s21+$0x10]  }
0x6f: {  	[tilespmem:s21+$0x13460] =	vst v0;
	v0 =	vadd.f32 v5, v2;
	v2 =	vld [tilespmem:s21+$0x7020]  }
0x70: {  	v5 =	vld [tilespmem:s21+$0x20]  }
0x71: {  	[tilespmem:s21+$0x13470] =	vst v0;
	v0 =	vadd.f32 v6, v1;
	v6 =	vld [tilespmem:s21+$0x7030]  }
0x72: {  	v8 =	vld [tilespmem:s21+$0x7040]  }
0x73: {  	v9 =	vld [tilespmem:s21+$0x40];
	[tilespmem:s21+$0x15000] =	vst v0;
	v0 =	vadd.f32 v4, v3  }
0x74: {  	v1 =	vld [tilespmem:s21+$0x7050]  }
0x75: {  	v3 =	vld [tilespmem:s21+$0x50];
	[tilespmem:s21+$0x15010] =	vst v0;
	v0 =	vadd.f32 v5, v2  }
0x76: {  	v4 =	vld [tilespmem:s21+$0x60];
	v5 =	vadd.f32 v7, v6  }
0x77: {  	s18 =	sshll.u32 s16, $0x3;
	s8 =	simm.s32 $0x80;
	[tilespmem:s21+$0x15020] =	vst v0;
	v0 =	vld [tilespmem:s21+$0x7060]  }
0x78: {  	s25 =	simm.s32 $0x400;
	s23 =	sadd.s32 s4, s18;
	v2 =	vld [tilespmem:s8+$0x7070];
	[tilespmem:s21+$0x15030] =	vst v5;
	v5 =	vadd.f32 v9, v8  }
.LBB2_3:
0x79: {  	p1 =	sne.s32 s25, $0x6200;
	v6 =	vld [tilespmem:s8+$0x70]  }
0x7a: {  	v7 =	vld [tilespmem:s8+$0x1C00];
	[tilespmem:s21+$0x15040] =	vst v5;
	v1 =	vadd.f32 v3, v1  }
0x7b: {  	v3 =	vld [tilespmem:s8+$0x0]  }
0x7c: {  	v5 =	vld [tilespmem:s8+$0x1C10];
	[tilespmem:s21+$0x15050] =	vst v1;
	v0 =	vadd.f32 v4, v0  }
0x7d: {  	v1 =	vld [tilespmem:s8+$0x10]  }
0x7e: {  	v4 =	vld [tilespmem:s8+$0x1C20];
	v2 =	vadd.f32 v6, v2;
	[tilespmem:s21+$0x15060] =	vst v0;
	s21 =	smov.u32 s8  }
0x7f: {  	v0 =	vld [tilespmem:s21+$0x20]  }
0x80: {  	v3 =	vadd.f32 v3, v7;
	v6 =	vld [tilespmem:s21+$0x1C30];
	[tilespmem:s21+$0x15070] =	vst v2  }
0x81: {  	v2 =	vld [tilespmem:s21+$0x30]  }
0x82: {  	[tilespmem:s21+$0xFC00] =	vst v3;
	v1 =	vadd.f32 v1, v5;
	v3 =	vld [tilespmem:s21+$0x1C40]  }
0x83: {  	v5 =	vld [tilespmem:s21+$0x40]  }
0x84: {  	[tilespmem:s21+$0xFC10] =	vst v1;
	v0 =	vadd.f32 v0, v4;
	v1 =	vld [tilespmem:s21+$0x1C50]  }
0x85: {  	v4 =	vld [tilespmem:s21+$0x50]  }
0x86: {  	[tilespmem:s21+$0xFC20] =	vst v0;
	v0 =	vadd.f32 v2, v6;
	v2 =	vld [tilespmem:s21+$0x1C60]  }
0x87: {  	v6 =	vld [tilespmem:s21+$0x60]  }
0x88: {  	[tilespmem:s21+$0xFC30] =	vst v0;
	v0 =	vadd.f32 v5, v3;
	v3 =	vld [tilespmem:s21+$0x1C70]  }
0x89: {  	v5 =	vld [tilespmem:s21+$0x70]  }
0x8a: {  	[tilespmem:s21+$0xFC40] =	vst v0;
	v0 =	vadd.f32 v4, v1;
	v1 =	vld [tilespmem:s21+$0x3800]  }
0x8b: {  	v4 =	vld [tilespmem:s21+$0x0]  }
0x8c: {  	[tilespmem:s21+$0xFC50] =	vst v0;
	v0 =	vadd.f32 v6, v2;
	v2 =	vld [tilespmem:s21+$0x3810]  }
0x8d: {  	v6 =	vld [tilespmem:s21+$0x10]  }
0x8e: {  	[tilespmem:s21+$0xFC60] =	vst v0;
	v0 =	vadd.f32 v5, v3;
	v3 =	vld [tilespmem:s21+$0x3820]  }
0x8f: {  	v5 =	vld [tilespmem:s21+$0x20]  }
0x90: {  	[tilespmem:s21+$0xFC70] =	vst v0;
	v0 =	vadd.f32 v4, v1;
	v1 =	vld [tilespmem:s21+$0x3830]  }
0x91: {  	v4 =	vld [tilespmem:s21+$0x30]  }
0x92: {  	[tilespmem:s21+$0x11800] =	vst v0;
	v0 =	vadd.f32 v6, v2;
	v2 =	vld [tilespmem:s21+$0x3840]  }
0x93: {  	v6 =	vld [tilespmem:s21+$0x40]  }
0x94: {  	[tilespmem:s21+$0x11810] =	vst v0;
	v0 =	vadd.f32 v5, v3;
	v3 =	vld [tilespmem:s21+$0x3850]  }
0x95: {  	v5 =	vld [tilespmem:s21+$0x50]  }
0x96: {  	[tilespmem:s21+$0x11820] =	vst v0;
	v0 =	vadd.f32 v4, v1;
	v1 =	vld [tilespmem:s21+$0x3860]  }
0x97: {  	v4 =	vld [tilespmem:s21+$0x60]  }
0x98: {  	[tilespmem:s21+$0x11830] =	vst v0;
	v0 =	vadd.f32 v6, v2;
	v2 =	vld [tilespmem:s21+$0x3870]  }
0x99: {  	v6 =	vld [tilespmem:s21+$0x70]  }
0x9a: {  	[tilespmem:s21+$0x11840] =	vst v0;
	v0 =	vadd.f32 v5, v3;
	v3 =	vld [tilespmem:s21+$0x5400]  }
0x9b: {  	v5 =	vld [tilespmem:s21+$0x0]  }
0x9c: {  	[tilespmem:s21+$0x11850] =	vst v0;
	v0 =	vadd.f32 v4, v1;
	v1 =	vld [tilespmem:s21+$0x5410]  }
0x9d: {  	v4 =	vld [tilespmem:s21+$0x10]  }
0x9e: {  	[tilespmem:s21+$0x11860] =	vst v0;
	v0 =	vadd.f32 v6, v2;
	v2 =	vld [tilespmem:s21+$0x5420]  }
0x9f: {  	v6 =	vld [tilespmem:s21+$0x20]  }
0xa0: {  	[tilespmem:s21+$0x11870] =	vst v0;
	v0 =	vadd.f32 v5, v3;
	v3 =	vld [tilespmem:s21+$0x5430]  }
0xa1: {  	v5 =	vld [tilespmem:s21+$0x30]  }
0xa2: {  	[tilespmem:s21+$0x13400] =	vst v0;
	v0 =	vadd.f32 v4, v1;
	v1 =	vld [tilespmem:s21+$0x5440]  }
0xa3: {  	v4 =	vld [tilespmem:s21+$0x40]  }
0xa4: {  	[tilespmem:s21+$0x13410] =	vst v0;
	v0 =	vadd.f32 v6, v2;
	v2 =	vld [tilespmem:s21+$0x5450]  }
0xa5: {  	v6 =	vld [tilespmem:s21+$0x50]  }
0xa6: {  	[tilespmem:s21+$0x13420] =	vst v0;
	v0 =	vadd.f32 v5, v3;
	v3 =	vld [tilespmem:s21+$0x5460]  }
0xa7: {  	v5 =	vld [tilespmem:s21+$0x60]  }
0xa8: {  	[tilespmem:s21+$0x13430] =	vst v0;
	v0 =	vadd.f32 v4, v1;
	v1 =	vld [tilespmem:s21+$0x5470]  }
0xa9: {  	v4 =	vld [tilespmem:s21+$0x70]  }
0xaa: {  	[tilespmem:s21+$0x13440] =	vst v0;
	v0 =	vadd.f32 v6, v2;
	v2 =	vld [tilespmem:s21+$0x7000]  }
0xab: {  	v6 =	vld [tilespmem:s21+$0x0]  }
0xac: {  	[tilespmem:s21+$0x13450] =	vst v0;
	v0 =	vadd.f32 v5, v3;
	v3 =	vld [tilespmem:s21+$0x7010]  }
0xad: {  	v5 =	vld [tilespmem:s21+$0x10]  }
0xae: {  	[tilespmem:s21+$0x13460] =	vst v0;
	v0 =	vadd.f32 v4, v1;
	v1 =	vld [tilespmem:s21+$0x7020]  }
0xaf: {  	v4 =	vld [tilespmem:s21+$0x20]  }
0xb0: {  	[tilespmem:s21+$0x13470] =	vst v0;
	v0 =	vadd.f32 v6, v2;
	v2 =	vld [tilespmem:s21+$0x7030]  }
0xb1: {  	v6 =	vld [tilespmem:s21+$0x30]  }
0xb2: {  	[tilespmem:s21+$0x15000] =	vst v0;
	v0 =	vadd.f32 v5, v3;
	v5 =	vld [tilespmem:s21+$0x7040]  }
0xb3: {  	v7 =	vld [tilespmem:s21+$0x40]  }
.Ltmp2:
0xb4: {  	[tilespmem:s21+$0x15010] =	vst v0;
	v0 =	vadd.f32 v4, v1;
	v1 =	vld [tilespmem:s21+$0x7050];
	(pc) =	sbr.rel @p1 .LBB2_3-.Ltmp2, $4  }
0xb5: {  	v3 =	vld [tilespmem:s21+$0x50]  }
0xb6: {  	[tilespmem:s21+$0x15020] =	vst v0;
	v6 =	vadd.f32 v6, v2;
	v0 =	vld [tilespmem:s21+$0x7060]  }
0xb7: {  	s8 =	sshra.s32 s25, $0x2;
	v4 =	vld [tilespmem:s21+$0x60]  }
0xb8: {  	s25 =	sadd.s32 $0x200, s25;
	v2 =	vld [tilespmem:s8+$0x7070];
	[tilespmem:s21+$0x15030] =	vst v6;
	v5 =	vadd.f32 v7, v5  }
0xb9: {  	v6 =	vld [tilespmem:s8+$0x70]  }
0xba: {  	v7 =	vld [tilespmem:s8+$0x1C00];
	[tilespmem:s21+$0x15040] =	vst v5;
	v1 =	vadd.f32 v3, v1  }
0xbb: {  	v3 =	vld [tilespmem:s8+$0x0]  }
0xbc: {  	v5 =	vld [tilespmem:s8+$0x1C10];
	[tilespmem:s21+$0x15050] =	vst v1;
	v0 =	vadd.f32 v4, v0  }
0xbd: {  	v1 =	vld [tilespmem:s8+$0x10]  }
0xbe: {  	v4 =	vld [tilespmem:s8+$0x1C20];
	[tilespmem:s21+$0x15060] =	vst v0  }
0xbf: {  	v0 =	vadd.f32 v6, v2;
	v2 =	vld [tilespmem:s8+$0x20]  }
0xc0: {  	v6 =	vld [tilespmem:s8+$0x1C30]  }
0xc1: {  	v3 =	vadd.f32 v3, v7;
	[tilespmem:s8+$0x15070] =	vst v0;
	v0 =	vld [tilespmem:s8+$0x30]  }
0xc2: {  	v7 =	vld [tilespmem:s8+$0x60]  }
0xc3: {  	[tilespmem:s8+$0xFC00] =	vst v3;
	v1 =	vadd.f32 v1, v5;
	v3 =	vld [tilespmem:s8+$0x1C40]  }
0xc4: {  	v5 =	vld [tilespmem:s8+$0x40]  }
0xc5: {  	[tilespmem:s8+$0xFC10] =	vst v1;
	v1 =	vadd.f32 v2, v4;
	v2 =	vld [tilespmem:s8+$0x1C50]  }
0xc6: {  	v4 =	vld [tilespmem:s8+$0x50]  }
0xc7: {  	v0 =	vadd.f32 v0, v6;
	v6 =	vld [tilespmem:s8+$0x60]  }
0xc8: {  	[tilespmem:s8+$0xFC20] =	vst v1;
	v1 =	vld [tilespmem:s8+$0x1C60]  }
0xc9: {  	[tilespmem:s8+$0xFC30] =	vst v0;
	v0 =	vadd.f32 v5, v3;
	v3 =	vld [tilespmem:s8+$0x1C70]  }
0xca: {  	v5 =	vld [tilespmem:s8+$0x70]  }
0xcb: {  	[tilespmem:s8+$0xFC40] =	vst v0;
	v0 =	vadd.f32 v4, v2;
	v2 =	vld [tilespmem:s8+$0x3800]  }
0xcc: {  	v4 =	vld [tilespmem:s8+$0x0]  }
0xcd: {  	[tilespmem:s8+$0xFC50] =	vst v0;
	v0 =	vadd.f32 v6, v1;
	v1 =	vld [tilespmem:s8+$0x3810]  }
0xce: {  	v6 =	vld [tilespmem:s8+$0x10]  }
0xcf: {  	[tilespmem:s8+$0xFC60] =	vst v0;
	v0 =	vadd.f32 v5, v3;
	v3 =	vld [tilespmem:s8+$0x3820]  }
0xd0: {  	v5 =	vld [tilespmem:s8+$0x20]  }
0xd1: {  	[tilespmem:s8+$0xFC70] =	vst v0;
	v0 =	vadd.f32 v4, v2;
	v2 =	vld [tilespmem:s8+$0x3830]  }
0xd2: {  	v4 =	vld [tilespmem:s8+$0x30]  }
0xd3: {  	[tilespmem:s8+$0x11800] =	vst v0;
	v0 =	vadd.f32 v6, v1;
	v1 =	vld [tilespmem:s8+$0x3840]  }
0xd4: {  	v6 =	vld [tilespmem:s8+$0x40]  }
0xd5: {  	[tilespmem:s8+$0x11810] =	vst v0;
	v0 =	vadd.f32 v5, v3;
	v3 =	vld [tilespmem:s8+$0x3850]  }
0xd6: {  	v5 =	vld [tilespmem:s8+$0x50]  }
0xd7: {  	[tilespmem:s8+$0x11820] =	vst v0;
	v0 =	vadd.f32 v4, v2;
	v2 =	vld [tilespmem:s8+$0x3860]  }
0xd8: {  	v4 =	vld [tilespmem:s8+$0x60]  }
0xd9: {  	[tilespmem:s8+$0x11830] =	vst v0;
	v0 =	vadd.f32 v6, v1;
	v1 =	vld [tilespmem:s8+$0x3870]  }
0xda: {  	v6 =	vld [tilespmem:s8+$0x70]  }
0xdb: {  	[tilespmem:s8+$0x11840] =	vst v0;
	v0 =	vadd.f32 v5, v3;
	v3 =	vld [tilespmem:s8+$0x5400]  }
0xdc: {  	v5 =	vld [tilespmem:s8+$0x0]  }
0xdd: {  	[tilespmem:s8+$0x11850] =	vst v0;
	v0 =	vadd.f32 v4, v2;
	v2 =	vld [tilespmem:s8+$0x5410]  }
0xde: {  	v4 =	vld [tilespmem:s8+$0x10]  }
0xdf: {  	[tilespmem:s8+$0x11860] =	vst v0;
	v0 =	vadd.f32 v6, v1;
	v1 =	vld [tilespmem:s8+$0x5420]  }
0xe0: {  	v6 =	vld [tilespmem:s8+$0x20]  }
0xe1: {  	[tilespmem:s8+$0x11870] =	vst v0;
	v0 =	vadd.f32 v5, v3;
	v3 =	vld [tilespmem:s8+$0x5430]  }
0xe2: {  	v5 =	vld [tilespmem:s8+$0x30]  }
0xe3: {  	[tilespmem:s8+$0x13400] =	vst v0;
	v0 =	vadd.f32 v4, v2;
	v2 =	vld [tilespmem:s8+$0x5440]  }
0xe4: {  	v4 =	vld [tilespmem:s8+$0x40]  }
0xe5: {  	[tilespmem:s8+$0x13410] =	vst v0;
	v0 =	vadd.f32 v6, v1;
	v1 =	vld [tilespmem:s8+$0x5450]  }
0xe6: {  	v6 =	vld [tilespmem:s8+$0x50]  }
0xe7: {  	[tilespmem:s8+$0x13420] =	vst v0;
	v0 =	vadd.f32 v5, v3;
	v3 =	vld [tilespmem:s8+$0x5460]  }
0xe8: {  	v5 =	vld [tilespmem:s8+$0x60]  }
0xe9: {  	[tilespmem:s8+$0x13430] =	vst v0;
	v0 =	vadd.f32 v4, v2;
	v2 =	vld [tilespmem:s8+$0x5470]  }
0xea: {  	v4 =	vld [tilespmem:s8+$0x70]  }
0xeb: {  	[tilespmem:s8+$0x13440] =	vst v0;
	v0 =	vadd.f32 v6, v1;
	v1 =	vld [tilespmem:s8+$0x7000]  }
0xec: {  	v6 =	vld [tilespmem:s8+$0x0]  }
0xed: {  	[tilespmem:s8+$0x13450] =	vst v0;
	v0 =	vadd.f32 v5, v3;
	v3 =	vld [tilespmem:s8+$0x7010]  }
0xee: {  	v5 =	vld [tilespmem:s8+$0x10]  }
0xef: {  	[tilespmem:s8+$0x13460] =	vst v0;
	v0 =	vadd.f32 v4, v2;
	v2 =	vld [tilespmem:s8+$0x7020]  }
0xf0: {  	v4 =	vld [tilespmem:s8+$0x20]  }
0xf1: {  	[tilespmem:s8+$0x13470] =	vst v0;
	v0 =	vadd.f32 v6, v1;
	v1 =	vld [tilespmem:s8+$0x7030]  }
0xf2: {  	v6 =	vld [tilespmem:s8+$0x30]  }
0xf3: {  	[tilespmem:s8+$0x15000] =	vst v0;
	v0 =	vadd.f32 v5, v3;
	v3 =	vld [tilespmem:s8+$0x7040]  }
0xf4: {  	v5 =	vld [tilespmem:s8+$0x40]  }
0xf5: {  	[tilespmem:s8+$0x15010] =	vst v0;
	v0 =	vadd.f32 v4, v2;
	v2 =	vld [tilespmem:s8+$0x7050]  }
0xf6: {  	v4 =	vld [tilespmem:s8+$0x50]  }
0xf7: {  	[tilespmem:s8+$0x15020] =	vst v0;
	v0 =	vld [tilespmem:s8+$0x7060];
	_ =	sdelay $0x1  }
0xf8: {  	v1 =	vadd.f32 v6, v1  }
0xf9: {  	v3 =	vadd.f32 v5, v3  }
0xfa: {  	[tilespmem:s8+$0x15030] =	vst v1;
	v1 =	vadd.f32 v4, v2  }
0xfb: {  	s23 =	smul.u32 $0x380, s23;
	[tilespmem:s8+$0x15040] =	vst v3;
	v0 =	vadd.f32 v7, v0  }
0xfc: {  	[tilespmem:s8+$0x15050] =	vst v1  }
0xfd: {  	s25 =	sadd.s32 s6, s23;
	[tilespmem:s8+$0x15060] =	vst v0  }
0xfe: {  	[hbm4b:s25+s3] =	stream.linear.scatter [tilespmem:s29], [sflag:$0x3], $0x1900, $0x38;
	[tilespmem:$0x1DC00] =	vst v63  }
0xff: {  	p1 =	seq.s32 s16, $0x3F;
	s21 =	sadd.s32 $0x380, s25  }
0x100: {  	[hbm4b:s21+s3] =	stream.linear.scatter [tilespmem:s30], [sflag:$0x3], $0x1900, $0x38;
	[tilespmem:$0x1DC00] =	vst v63  }
0x101: {  	s23 =	sadd.s32 $0x700, s25;
	s21 =	sadd.s32 @!p1 s18, s9  }
0x102: {  	[hbm4b:s23+s3] =	stream.linear.scatter [tilespmem:s31], [sflag:$0x3], $0x1900, $0x38;
	[tilespmem:$0x1DC00] =	vst v63  }
0x103: {  	s8 =	sadd.s32 $0xA80, s25;
	s21 =	smul.u32 @!p1 $0x380, s21  }
0x104: {  	[hbm4b:s8+s3] =	stream.linear.scatter [tilespmem:s1], [sflag:$0x3], $0x1900, $0x38;
	[tilespmem:$0x1DC00] =	vst v63  }
0x105: {  	s23 =	simm.s32 @!p1 $0x1C00;
	s8 =	sadd.s32 @!p1 s5, s21;
	s21 =	simm.s32 @!p1 $0x0  }
0x106: {  	[tilespmem:s23], [sflag:$0x1] =	stream.linear.gather @!p1 [hbm4b:s8+s21], $0x1900, $0x38;
	[tilespmem:$0x1DC00] =	vst v63  }
0x107: {  	s25 =	simm.s32 @!p1 $0x3800;
	s23 =	sadd.s32 @!p1 $0x380, s8  }
0x108: {  	[tilespmem:s25], [sflag:$0x1] =	stream.linear.gather @!p1 [hbm4b:s23+s21], $0x1900, $0x38;
	[tilespmem:$0x1DC00] =	vst v63  }
0x109: {  	s23 =	sadd.s32 @!p1 $0x700, s8;
	s25 =	simm.s32 @!p1 $0x5400  }
0x10a: {  	[tilespmem:s25], [sflag:$0x1] =	stream.linear.gather @!p1 [hbm4b:s23+s21], $0x1900, $0x38;
	[tilespmem:$0x1DC00] =	vst v63  }
0x10b: {  	s8 =	sadd.s32 @!p1 $0xA80, s8;
	s23 =	simm.s32 @!p1 $0x7000  }
0x10c: {  	[tilespmem:s23], [sflag:$0x1] =	stream.linear.gather @!p1 [hbm4b:s8+s21], $0x1900, $0x38;
	[tilespmem:$0x1DC00] =	vst v63  }
0x10d: {  	_ =	swait.ge [sflag:s0], $0x6400  }
0x10e: {  	[sflag:s0] =	ssyncset.done $0x0  }
0x10f: {  	s8 =	simm.s32 @!p0 $0x4;
	[sflag:s0] =	ssyncadd.s32 $0xFFFF9C00  }
0x110: {  	_ =	swait.ge @!p0 [sflag:s8], $0x6400  }
0x111: {  	[sflag:s8] =	ssyncset.done @!p0 $0x0  }
0x112: {  	s21 =	simm.s32 $0x0;
	[sflag:s8] =	ssyncadd.s32 @!p0 $0xFFFF9C00  }
0x113: {  	v0 =	vld [tilespmem:s21+$0xE070]  }
0x114: {  	v1 =	vld [tilespmem:s21+$0x70]  }
0x115: {  	v2 =	vld [tilespmem:s21+$0x8C00]  }
0x116: {  	v3 =	vld [tilespmem:s21+$0x0]  }
0x117: {  	v4 =	vld [tilespmem:s21+$0x8C10]  }
0x118: {  	v5 =	vld [tilespmem:s21+$0x10]  }
0x119: {  	v6 =	vld [tilespmem:s21+$0x8C20]  }
0x11a: {  	v7 =	vld [tilespmem:s21+$0x8C30]  }
0x11b: {  	v0 =	vadd.f32 v1, v0;
	v1 =	vld [tilespmem:s21+$0x20]  }
0x11c: {  	v2 =	vadd.f32 v3, v2;
	v3 =	vld [tilespmem:s21+$0x8C40]  }
0x11d: {  	[tilespmem:s21+$0x1C070] =	vst v0;
	v0 =	vld [tilespmem:s21+$0x30]  }
0x11e: {  	[tilespmem:s21+$0x16C00] =	vst v2;
	v2 =	vadd.f32 v5, v4;
	v4 =	vld [tilespmem:s21+$0x40]  }
0x11f: {  	v5 =	vld [tilespmem:s21+$0x50]  }
0x120: {  	[tilespmem:s21+$0x16C10] =	vst v2;
	v2 =	vld [tilespmem:s21+$0x8C50];
	v1 =	vadd.f32 v1, v6  }
0x121: {  	v6 =	vld [tilespmem:s21+$0x60]  }
0x122: {  	[tilespmem:s21+$0x16C20] =	vst v1;
	v0 =	vadd.f32 v0, v7;
	v1 =	vld [tilespmem:s21+$0x8C60]  }
0x123: {  	v7 =	vld [tilespmem:s21+$0x30]  }
0x124: {  	[tilespmem:s21+$0x16C30] =	vst v0;
	v0 =	vadd.f32 v4, v3;
	v3 =	vld [tilespmem:s21+$0x8C70]  }
0x125: {  	v4 =	vld [tilespmem:s21+$0x70]  }
0x126: {  	[tilespmem:s21+$0x16C40] =	vst v0;
	v0 =	vadd.f32 v5, v2;
	v2 =	vld [tilespmem:s21+$0xA800]  }
0x127: {  	v5 =	vld [tilespmem:s21+$0x0]  }
0x128: {  	[tilespmem:s21+$0x16C50] =	vst v0;
	v0 =	vadd.f32 v6, v1;
	v1 =	vld [tilespmem:s21+$0xA810]  }
0x129: {  	v6 =	vld [tilespmem:s21+$0x10]  }
0x12a: {  	[tilespmem:s21+$0x16C60] =	vst v0;
	v0 =	vadd.f32 v4, v3;
	v3 =	vld [tilespmem:s21+$0xA820]  }
0x12b: {  	v4 =	vld [tilespmem:s21+$0x20]  }
0x12c: {  	[tilespmem:s21+$0x16C70] =	vst v0;
	v0 =	vadd.f32 v5, v2;
	v2 =	vld [tilespmem:s21+$0xA830]  }
0x12d: {  	v5 =	vld [tilespmem:s21+$0x30]  }
0x12e: {  	[tilespmem:s21+$0x18800] =	vst v0;
	v0 =	vadd.f32 v6, v1;
	v1 =	vld [tilespmem:s21+$0xA840]  }
0x12f: {  	v6 =	vld [tilespmem:s21+$0x40]  }
0x130: {  	[tilespmem:s21+$0x18810] =	vst v0;
	v0 =	vadd.f32 v4, v3;
	v3 =	vld [tilespmem:s21+$0xA850]  }
0x131: {  	v4 =	vld [tilespmem:s21+$0x50]  }
0x132: {  	[tilespmem:s21+$0x18820] =	vst v0;
	v0 =	vadd.f32 v5, v2;
	v2 =	vld [tilespmem:s21+$0xA860]  }
0x133: {  	v5 =	vld [tilespmem:s21+$0x60]  }
0x134: {  	[tilespmem:s21+$0x18830] =	vst v0;
	v0 =	vadd.f32 v6, v1;
	v1 =	vld [tilespmem:s21+$0xA870]  }
0x135: {  	v6 =	vld [tilespmem:s21+$0x70]  }
0x136: {  	[tilespmem:s21+$0x18840] =	vst v0;
	v0 =	vadd.f32 v4, v3;
	v3 =	vld [tilespmem:s21+$0xC400]  }
0x137: {  	v4 =	vld [tilespmem:s21+$0x0]  }
0x138: {  	[tilespmem:s21+$0x18850] =	vst v0;
	v0 =	vadd.f32 v5, v2;
	v2 =	vld [tilespmem:s21+$0xC410]  }
0x139: {  	v5 =	vld [tilespmem:s21+$0x10]  }
0x13a: {  	[tilespmem:s21+$0x18860] =	vst v0;
	v0 =	vadd.f32 v6, v1;
	v1 =	vld [tilespmem:s21+$0xC420]  }
0x13b: {  	v6 =	vld [tilespmem:s21+$0x20]  }
0x13c: {  	[tilespmem:s21+$0x18870] =	vst v0;
	v0 =	vadd.f32 v4, v3;
	v3 =	vld [tilespmem:s21+$0xC430]  }
0x13d: {  	v4 =	vld [tilespmem:s21+$0x30]  }
0x13e: {  	[tilespmem:s21+$0x1A400] =	vst v0;
	v0 =	vadd.f32 v5, v2;
	v2 =	vld [tilespmem:s21+$0xC440]  }
0x13f: {  	v5 =	vld [tilespmem:s21+$0x40]  }
0x140: {  	[tilespmem:s21+$0x1A410] =	vst v0;
	v0 =	vadd.f32 v6, v1;
	v1 =	vld [tilespmem:s21+$0xC450]  }
0x141: {  	v6 =	vld [tilespmem:s21+$0x50]  }
0x142: {  	[tilespmem:s21+$0x1A420] =	vst v0;
	v0 =	vadd.f32 v4, v3;
	v3 =	vld [tilespmem:s21+$0xC460]  }
0x143: {  	v4 =	vld [tilespmem:s21+$0x60]  }
0x144: {  	[tilespmem:s21+$0x1A430] =	vst v0;
	v0 =	vadd.f32 v5, v2;
	v2 =	vld [tilespmem:s21+$0xC470]  }
0x145: {  	v5 =	vld [tilespmem:s21+$0x70]  }
0x146: {  	[tilespmem:s21+$0x1A440] =	vst v0;
	v0 =	vadd.f32 v6, v1;
	v1 =	vld [tilespmem:s21+$0xE000]  }
0x147: {  	v6 =	vld [tilespmem:s21+$0x0]  }
0x148: {  	[tilespmem:s21+$0x1A450] =	vst v0;
	v0 =	vadd.f32 v4, v3;
	v3 =	vld [tilespmem:s21+$0xE010]  }
0x149: {  	v4 =	vld [tilespmem:s21+$0x10]  }
0x14a: {  	[tilespmem:s21+$0x1A460] =	vst v0;
	v0 =	vadd.f32 v5, v2;
	v2 =	vld [tilespmem:s21+$0xE020]  }
0x14b: {  	v5 =	vld [tilespmem:s21+$0x20]  }
0x14c: {  	[tilespmem:s21+$0x1A470] =	vst v0;
	v0 =	vadd.f32 v6, v1;
	v6 =	vld [tilespmem:s21+$0xE030]  }
0x14d: {  	v8 =	vld [tilespmem:s21+$0xE040]  }
0x14e: {  	v9 =	vld [tilespmem:s21+$0x40];
	[tilespmem:s21+$0x1C000] =	vst v0;
	v0 =	vadd.f32 v4, v3  }
0x14f: {  	v1 =	vld [tilespmem:s21+$0xE050]  }
0x150: {  	v3 =	vld [tilespmem:s21+$0x50];
	[tilespmem:s21+$0x1C010] =	vst v0;
	v0 =	vadd.f32 v5, v2  }
0x151: {  	v4 =	vld [tilespmem:s21+$0x60];
	v5 =	vadd.f32 v7, v6  }
0x152: {  	s25 =	sadd.s32 s18, s4;
	s8 =	simm.s32 $0x80;
	[tilespmem:s21+$0x1C020] =	vst v0;
	v0 =	vld [tilespmem:s21+$0xE060]  }
0x153: {  	s23 =	sadd.s32 $0x4, s25;
	s25 =	simm.s32 $0x400;
	v2 =	vld [tilespmem:s8+$0xE070];
	[tilespmem:s21+$0x1C030] =	vst v5;
	v5 =	vadd.f32 v9, v8  }
.LBB2_5:
0x154: {  	p0 =	sne.s32 s25, $0x6200;
	v6 =	vld [tilespmem:s8+$0x70]  }
0x155: {  	v7 =	vld [tilespmem:s8+$0x8C00];
	[tilespmem:s21+$0x1C040] =	vst v5;
	v1 =	vadd.f32 v3, v1  }
0x156: {  	v3 =	vld [tilespmem:s8+$0x0]  }
0x157: {  	v5 =	vld [tilespmem:s8+$0x8C10];
	[tilespmem:s21+$0x1C050] =	vst v1;
	v0 =	vadd.f32 v4, v0  }
0x158: {  	v1 =	vld [tilespmem:s8+$0x10]  }
0x159: {  	v4 =	vld [tilespmem:s8+$0x8C20];
	v2 =	vadd.f32 v6, v2;
	[tilespmem:s21+$0x1C060] =	vst v0;
	s21 =	smov.u32 s8  }
0x15a: {  	v0 =	vld [tilespmem:s21+$0x20]  }
0x15b: {  	v3 =	vadd.f32 v3, v7;
	v6 =	vld [tilespmem:s21+$0x8C30];
	[tilespmem:s21+$0x1C070] =	vst v2  }
0x15c: {  	v2 =	vld [tilespmem:s21+$0x30]  }
0x15d: {  	[tilespmem:s21+$0x16C00] =	vst v3;
	v1 =	vadd.f32 v1, v5;
	v3 =	vld [tilespmem:s21+$0x8C40]  }
0x15e: {  	v5 =	vld [tilespmem:s21+$0x40]  }
0x15f: {  	[tilespmem:s21+$0x16C10] =	vst v1;
	v0 =	vadd.f32 v0, v4;
	v1 =	vld [tilespmem:s21+$0x8C50]  }
0x160: {  	v4 =	vld [tilespmem:s21+$0x50]  }
0x161: {  	[tilespmem:s21+$0x16C20] =	vst v0;
	v0 =	vadd.f32 v2, v6;
	v2 =	vld [tilespmem:s21+$0x8C60]  }
0x162: {  	v6 =	vld [tilespmem:s21+$0x60]  }
0x163: {  	[tilespmem:s21+$0x16C30] =	vst v0;
	v0 =	vadd.f32 v5, v3;
	v3 =	vld [tilespmem:s21+$0x8C70]  }
0x164: {  	v5 =	vld [tilespmem:s21+$0x70]  }
0x165: {  	[tilespmem:s21+$0x16C40] =	vst v0;
	v0 =	vadd.f32 v4, v1;
	v1 =	vld [tilespmem:s21+$0xA800]  }
0x166: {  	v4 =	vld [tilespmem:s21+$0x0]  }
0x167: {  	[tilespmem:s21+$0x16C50] =	vst v0;
	v0 =	vadd.f32 v6, v2;
	v2 =	vld [tilespmem:s21+$0xA810]  }
0x168: {  	v6 =	vld [tilespmem:s21+$0x10]  }
0x169: {  	[tilespmem:s21+$0x16C60] =	vst v0;
	v0 =	vadd.f32 v5, v3;
	v3 =	vld [tilespmem:s21+$0xA820]  }
0x16a: {  	v5 =	vld [tilespmem:s21+$0x20]  }
0x16b: {  	[tilespmem:s21+$0x16C70] =	vst v0;
	v0 =	vadd.f32 v4, v1;
	v1 =	vld [tilespmem:s21+$0xA830]  }
0x16c: {  	v4 =	vld [tilespmem:s21+$0x30]  }
0x16d: {  	[tilespmem:s21+$0x18800] =	vst v0;
	v0 =	vadd.f32 v6, v2;
	v2 =	vld [tilespmem:s21+$0xA840]  }
0x16e: {  	v6 =	vld [tilespmem:s21+$0x40]  }
0x16f: {  	[tilespmem:s21+$0x18810] =	vst v0;
	v0 =	vadd.f32 v5, v3;
	v3 =	vld [tilespmem:s21+$0xA850]  }
0x170: {  	v5 =	vld [tilespmem:s21+$0x50]  }
0x171: {  	[tilespmem:s21+$0x18820] =	vst v0;
	v0 =	vadd.f32 v4, v1;
	v1 =	vld [tilespmem:s21+$0xA860]  }
0x172: {  	v4 =	vld [tilespmem:s21+$0x60]  }
0x173: {  	[tilespmem:s21+$0x18830] =	vst v0;
	v0 =	vadd.f32 v6, v2;
	v2 =	vld [tilespmem:s21+$0xA870]  }
0x174: {  	v6 =	vld [tilespmem:s21+$0x70]  }
0x175: {  	[tilespmem:s21+$0x18840] =	vst v0;
	v0 =	vadd.f32 v5, v3;
	v3 =	vld [tilespmem:s21+$0xC400]  }
0x176: {  	v5 =	vld [tilespmem:s21+$0x0]  }
0x177: {  	[tilespmem:s21+$0x18850] =	vst v0;
	v0 =	vadd.f32 v4, v1;
	v1 =	vld [tilespmem:s21+$0xC410]  }
0x178: {  	v4 =	vld [tilespmem:s21+$0x10]  }
0x179: {  	[tilespmem:s21+$0x18860] =	vst v0;
	v0 =	vadd.f32 v6, v2;
	v2 =	vld [tilespmem:s21+$0xC420]  }
0x17a: {  	v6 =	vld [tilespmem:s21+$0x20]  }
0x17b: {  	[tilespmem:s21+$0x18870] =	vst v0;
	v0 =	vadd.f32 v5, v3;
	v3 =	vld [tilespmem:s21+$0xC430]  }
0x17c: {  	v5 =	vld [tilespmem:s21+$0x30]  }
0x17d: {  	[tilespmem:s21+$0x1A400] =	vst v0;
	v0 =	vadd.f32 v4, v1;
	v1 =	vld [tilespmem:s21+$0xC440]  }
0x17e: {  	v4 =	vld [tilespmem:s21+$0x40]  }
0x17f: {  	[tilespmem:s21+$0x1A410] =	vst v0;
	v0 =	vadd.f32 v6, v2;
	v2 =	vld [tilespmem:s21+$0xC450]  }
0x180: {  	v6 =	vld [tilespmem:s21+$0x50]  }
0x181: {  	[tilespmem:s21+$0x1A420] =	vst v0;
	v0 =	vadd.f32 v5, v3;
	v3 =	vld [tilespmem:s21+$0xC460]  }
0x182: {  	v5 =	vld [tilespmem:s21+$0x60]  }
0x183: {  	[tilespmem:s21+$0x1A430] =	vst v0;
	v0 =	vadd.f32 v4, v1;
	v1 =	vld [tilespmem:s21+$0xC470]  }
0x184: {  	v4 =	vld [tilespmem:s21+$0x70]  }
0x185: {  	[tilespmem:s21+$0x1A440] =	vst v0;
	v0 =	vadd.f32 v6, v2;
	v2 =	vld [tilespmem:s21+$0xE000]  }
0x186: {  	v6 =	vld [tilespmem:s21+$0x0]  }
0x187: {  	[tilespmem:s21+$0x1A450] =	vst v0;
	v0 =	vadd.f32 v5, v3;
	v3 =	vld [tilespmem:s21+$0xE010]  }
0x188: {  	v5 =	vld [tilespmem:s21+$0x10]  }
0x189: {  	[tilespmem:s21+$0x1A460] =	vst v0;
	v0 =	vadd.f32 v4, v1;
	v1 =	vld [tilespmem:s21+$0xE020]  }
0x18a: {  	v4 =	vld [tilespmem:s21+$0x20]  }
0x18b: {  	[tilespmem:s21+$0x1A470] =	vst v0;
	v0 =	vadd.f32 v6, v2;
	v2 =	vld [tilespmem:s21+$0xE030]  }
0x18c: {  	v6 =	vld [tilespmem:s21+$0x30]  }
0x18d: {  	[tilespmem:s21+$0x1C000] =	vst v0;
	v0 =	vadd.f32 v5, v3;
	v5 =	vld [tilespmem:s21+$0xE040]  }
0x18e: {  	v7 =	vld [tilespmem:s21+$0x40]  }
.Ltmp3:
0x18f: {  	[tilespmem:s21+$0x1C010] =	vst v0;
	v0 =	vadd.f32 v4, v1;
	v1 =	vld [tilespmem:s21+$0xE050];
	(pc) =	sbr.rel @p0 .LBB2_5-.Ltmp3, $4  }
0x190: {  	v3 =	vld [tilespmem:s21+$0x50]  }
0x191: {  	[tilespmem:s21+$0x1C020] =	vst v0;
	v6 =	vadd.f32 v6, v2;
	v0 =	vld [tilespmem:s21+$0xE060]  }
0x192: {  	s8 =	sshra.s32 s25, $0x2;
	v4 =	vld [tilespmem:s21+$0x60]  }
0x193: {  	s25 =	sadd.s32 $0x200, s25;
	v2 =	vld [tilespmem:s8+$0xE070];
	[tilespmem:s21+$0x1C030] =	vst v6;
	v5 =	vadd.f32 v7, v5  }
0x194: {  	v6 =	vld [tilespmem:s8+$0x70]  }
0x195: {  	v7 =	vld [tilespmem:s8+$0x8C00];
	[tilespmem:s21+$0x1C040] =	vst v5;
	v1 =	vadd.f32 v3, v1  }
0x196: {  	v34 =	vld [tilespmem:s8+$0x0]  }
0x197: {  	v5 =	vld [tilespmem:s8+$0x8C10];
	[tilespmem:s21+$0x1C050] =	vst v1;
	v0 =	vadd.f32 v4, v0  }
0x198: {  	v1 =	vld [tilespmem:s8+$0x10]  }
0x199: {  	v35 =	vld [tilespmem:s8+$0x8C20];
	[tilespmem:s21+$0x1C060] =	vst v0  }
0x19a: {  	v37 =	vld [tilespmem:s8+$0x20]  }
0x19b: {  	v38 =	vld [tilespmem:s8+$0x8C30]  }
0x19c: {  	v39 =	vld [tilespmem:s8+$0x30]  }
0x19d: {  	v40 =	vld [tilespmem:s8+$0x8C40]  }
0x19e: {  	v41 =	vld [tilespmem:s8+$0x40]  }
0x19f: {  	v43 =	vld [tilespmem:s8+$0x8C50]  }
0x1a0: {  	v44 =	vld [tilespmem:s8+$0x50]  }
0x1a1: {  	v45 =	vld [tilespmem:s8+$0x8C60]  }
0x1a2: {  	v46 =	vld [tilespmem:s8+$0x60]  }
0x1a3: {  	v48 =	vld [tilespmem:s8+$0x8C70]  }
0x1a4: {  	v49 =	vld [tilespmem:s8+$0x70]  }
0x1a5: {  	v51 =	vld [tilespmem:s8+$0xA800]  }
0x1a6: {  	v52 =	vld [tilespmem:s8+$0x0]  }
0x1a7: {  	v54 =	vld [tilespmem:s8+$0xA810]  }
0x1a8: {  	v55 =	vld [tilespmem:s8+$0x10]  }
0x1a9: {  	v57 =	vld [tilespmem:s8+$0xA820]  }
0x1aa: {  	v58 =	vld [tilespmem:s8+$0x20]  }
0x1ab: {  	v60 =	vld [tilespmem:s8+$0xA830]  }
0x1ac: {  	v61 =	vld [tilespmem:s8+$0x30]  }
0x1ad: {  	v63 =	vld [tilespmem:s8+$0xA840]  }
0x1ae: {  	v9 =	vld [tilespmem:s8+$0x40]  }
0x1af: {  	v11 =	vld [tilespmem:s8+$0xA850]  }
0x1b0: {  	v12 =	vld [tilespmem:s8+$0x50]  }
0x1b1: {  	v14 =	vld [tilespmem:s8+$0xA860]  }
0x1b2: {  	v15 =	vld [tilespmem:s8+$0x60]  }
0x1b3: {  	v17 =	vld [tilespmem:s8+$0xA870]  }
0x1b4: {  	v18 =	vld [tilespmem:s8+$0x70]  }
0x1b5: {  	v20 =	vld [tilespmem:s8+$0xC400]  }
0x1b6: {  	v21 =	vld [tilespmem:s8+$0x0]  }
0x1b7: {  	v23 =	vld [tilespmem:s8+$0xC410]  }
0x1b8: {  	v36 =	vadd.f32 v6, v2;
	v24 =	vld [tilespmem:s8+$0x10]  }
0x1b9: {  	v26 =	vld [tilespmem:s8+$0xC420];
	v3 =	vadd.f32 v34, v7  }
0x1ba: {  	v27 =	vld [tilespmem:s8+$0x20];
	[tilespmem:s8+$0x1C070] =	vst v36;
	v1 =	vadd.f32 v1, v5  }
0x1bb: {  	v29 =	vld [tilespmem:s8+$0xC430];
	[tilespmem:s8+$0x16C00] =	vst v3;
	v42 =	vadd.f32 v37, v35  }
0x1bc: {  	v30 =	vld [tilespmem:s8+$0x30];
	[tilespmem:s8+$0x16C10] =	vst v1;
	v0 =	vadd.f32 v39, v38  }
0x1bd: {  	v32 =	vld [tilespmem:s8+$0xC440];
	v47 =	vadd.f32 v41, v40;
	[tilespmem:s8+$0x16C20] =	vst v42  }
0x1be: {  	v33 =	vld [tilespmem:s8+$0x40];
	v50 =	vadd.f32 v44, v43;
	[tilespmem:s8+$0x16C30] =	vst v0  }
0x1bf: {  	v36 =	vld [tilespmem:s8+$0x50];
	v53 =	vadd.f32 v46, v45;
	[tilespmem:s8+$0x16C40] =	vst v47  }
0x1c0: {  	v56 =	vadd.f32 v49, v48;
	v35 =	vld [tilespmem:s8+$0xC450];
	[tilespmem:s8+$0x16C50] =	vst v50  }
0x1c1: {  	v59 =	vadd.f32 v52, v51;
	v38 =	vld [tilespmem:s8+$0xC460];
	[tilespmem:s8+$0x16C60] =	vst v53  }
0x1c2: {  	v62 =	vadd.f32 v55, v54;
	v39 =	vld [tilespmem:s8+$0x60];
	[tilespmem:s8+$0x16C70] =	vst v56  }
0x1c3: {  	v10 =	vadd.f32 v58, v57;
	v41 =	vld [tilespmem:s8+$0xC470];
	[tilespmem:s8+$0x18800] =	vst v59  }
0x1c4: {  	v13 =	vadd.f32 v61, v60;
	v44 =	vld [tilespmem:s8+$0xE000];
	[tilespmem:s8+$0x18810] =	vst v62  }
0x1c5: {  	v16 =	vadd.f32 v9, v63;
	v45 =	vld [tilespmem:s8+$0x0];
	[tilespmem:s8+$0x18820] =	vst v10  }
0x1c6: {  	v19 =	vadd.f32 v12, v11;
	v48 =	vld [tilespmem:s8+$0x10];
	[tilespmem:s8+$0x18830] =	vst v13  }
0x1c7: {  	v22 =	vadd.f32 v15, v14;
	v51 =	vld [tilespmem:s8+$0x20];
	[tilespmem:s8+$0x18840] =	vst v16  }
0x1c8: {  	v25 =	vadd.f32 v18, v17;
	v54 =	vld [tilespmem:s8+$0x30];
	[tilespmem:s8+$0x18850] =	vst v19  }
0x1c9: {  	v28 =	vadd.f32 v21, v20;
	v57 =	vld [tilespmem:s8+$0x40];
	[tilespmem:s8+$0x18860] =	vst v22  }
0x1ca: {  	v31 =	vadd.f32 v24, v23;
	v60 =	vld [tilespmem:s8+$0x50];
	[tilespmem:s8+$0x18870] =	vst v25  }
0x1cb: {  	v34 =	vadd.f32 v27, v26;
	v61 =	vld [tilespmem:s8+$0xE060];
	[tilespmem:s8+$0x1A400] =	vst v28  }
0x1cc: {  	v37 =	vadd.f32 v30, v29;
	[tilespmem:s8+$0x1A410] =	vst v31;
	v42 =	vld [tilespmem:s8+$0x70]  }
0x1cd: {  	v40 =	vadd.f32 v33, v32;
	[tilespmem:s8+$0x1A420] =	vst v34;
	v47 =	vld [tilespmem:s8+$0xE010]  }
0x1ce: {  	[tilespmem:s8+$0x1A430] =	vst v37;
	v50 =	vld [tilespmem:s8+$0xE020];
	v43 =	vadd.f32 v36, v35  }
0x1cf: {  	[tilespmem:s8+$0x1A440] =	vst v40;
	v53 =	vld [tilespmem:s8+$0xE030];
	v46 =	vadd.f32 v39, v38  }
0x1d0: {  	v56 =	vld [tilespmem:s8+$0xE040];
	v52 =	vadd.f32 v45, v44;
	[tilespmem:s8+$0x1A450] =	vst v43  }
0x1d1: {  	v59 =	vld [tilespmem:s8+$0xE050];
	[tilespmem:s8+$0x1A460] =	vst v46;
	v49 =	vadd.f32 v42, v41  }
0x1d2: {  	v62 =	vld [tilespmem:s8+$0x60];
	[tilespmem:s8+$0x1C000] =	vst v52;
	v55 =	vadd.f32 v48, v47  }
0x1d3: {  	v58 =	vadd.f32 v51, v50;
	[tilespmem:s8+$0x1A470] =	vst v49  }
0x1d4: {  	v1 =	vadd.f32 v54, v53;
	[tilespmem:s8+$0x1C010] =	vst v55  }
0x1d5: {  	v3 =	vadd.f32 v57, v56;
	[tilespmem:s8+$0x1C020] =	vst v58  }
0x1d6: {  	v63 =	vadd.f32 v60, v59;
	[tilespmem:s8+$0x1C030] =	vst v1  }
0x1d7: {  	s25 =	smul.u32 $0x380, s23;
	v0 =	vadd.f32 v62, v61;
	[tilespmem:s8+$0x1C040] =	vst v3  }
0x1d8: {  	[tilespmem:s8+$0x1C050] =	vst v63  }
0x1d9: {  	s23 =	sadd.s32 s6, s25;
	[tilespmem:s8+$0x1C060] =	vst v0  }
0x1da: {  	[hbm4b:s23+s3] =	stream.linear.scatter [tilespmem:s2], [sflag:$0x4], $0x1900, $0x38;
	[tilespmem:$0x1DC00] =	vst v63  }
0x1db: {  	s21 =	sadd.s32 $0x380, s23  }
0x1dc: {  	[hbm4b:s21+s3] =	stream.linear.scatter [tilespmem:s13], [sflag:$0x4], $0x1900, $0x38;
	[tilespmem:$0x1DC00] =	vst v63  }
.Ltmp4:
0x1dd: {  	_ = 	snop;
	(pc) =	sbr.rel @p1 .LBB2_8-.Ltmp4, $4  }
0x1de: {  	s25 =	sadd.s32 $0x700, s23  }
0x1df: {  	[hbm4b:s25+s3] =	stream.linear.scatter [tilespmem:s15], [sflag:$0x4], $0x1900, $0x38;
	[tilespmem:$0x1DC00] =	vst v63  }
0x1e0: {  	s8 =	sadd.s32 $0xA80, s23  }
0x1e1: {  	[hbm4b:s8+s3] =	stream.linear.scatter [tilespmem:s17], [sflag:$0x4], $0x1900, $0x38;
	[tilespmem:$0x1DC00] =	vst v63  }
0x1e2: {  	s8 =	sadd.s32 s18, s10  }
0x1e3: {  	s8 =	smul.u32 $0x380, s8;
	_ =	sdelay $0x1  }
0x1e4: {  	s8 =	sadd.s32 s5, s8  }
0x1e5: {  	[tilespmem:s20], [sflag:$0x2] =	stream.linear.gather [hbm4b:s8+s3], $0x1900, $0x38;
	[tilespmem:$0x1DC00] =	vst v63  }
0x1e6: {  	s23 =	sadd.s32 $0x380, s8  }
0x1e7: {  	[tilespmem:s22], [sflag:$0x2] =	stream.linear.gather [hbm4b:s23+s3], $0x1900, $0x38;
	[tilespmem:$0x1DC00] =	vst v63  }
.Ltmp5:
0x1e8: {  	_ = 	snop;
	(pc) =	sbr.rel .LBB2_2-.Ltmp5, $4  }
0x1e9: {  	s25 =	sadd.s32 $0x700, s8  }
0x1ea: {  	[tilespmem:s24], [sflag:$0x2] =	stream.linear.gather [hbm4b:s25+s3], $0x1900, $0x38;
	[tilespmem:$0x1DC00] =	vst v63  }
0x1eb: {  	s16 =	sadd.s32 $0x1, s16;
	s8 =	sadd.s32 $0xA80, s8  }
0x1ec: {  	[tilespmem:s26], [sflag:$0x2] =	stream.linear.gather [hbm4b:s8+s3], $0x1900, $0x38;
	[tilespmem:$0x1DC00] =	vst v63  }
.LBB2_9:
0x1ed: {  	_ =	sfence.sel $0x180000  }
0x1ee: {  	[bflag:$0x0] =	sbarrier.arrive $0xFFFF  }
0x1ef: {  	_ =	strace $0x90000047  }
0x1f0: {  	s0 =	stileid.u32;
	[bflag:$0x2] =	sbarrier.arrive $0xFFFF  }
0x1f1: {  	p0 =	sne.s32 s0, $0x0;
	s0 =	rddreg [dreg:$0x2]  }
0x1f2: {  	s0 =	sadd.s32 @!p0 $0x100000, s0  }
0x1f3: {  	[sflag:s0] =	ssyncadd.tile.s32 @!p0 $0x1;
	_ =	shalt  }
.Lfunc_end2:
_tile_overlayer_lowered:
.L_overlay_start_2:
0x1f4: {  	(tag) =	ssettag $0x2  }
0x1f5: {  	s0 =	rddreg [dreg:$0x0];
	s2 =	stileid.u32  }
0x1f6: {  	s1 =	rddreg [dreg:$0x1];
	p0 =	sne.s32 s2, $0x0  }
0x1f7: {  	s3 =	rddreg [dreg:$0x2];
	[bflag:$0x3] =	sbarrier.arrive $0xFFFF;
	s2 =	simm.s32 @!p0 $0x1C05  }
0x1f8: {  	[timem:s3], [sflag:s2] =	dma.local @!p0 [hbm:s0], s1  }
0x1f9: {  	s0 =	simm.s32 @!p0 $0x5  }
0x1fa: {  	_ =	swait.ge @!p0 [sflag:s0], s1  }
0x1fb: {  	s1 =	ssub.s32 @!p0 $0x0, s1;
	[sflag:s0] =	ssyncset.done @!p0 $0x0  }
0x1fc: {  	[sflag:s0] =	ssyncadd.s32 @!p0 s1  }
0x1fd: {  	[bflag:$0x3] =	sbarrier.arrive $0xFFFF  }
0x1fe: {  	_ =	shalt  }

</sc_bundles>
